<compile_context>
chip_gen: v7x
topology: tpu7x:2x2x1
jax: 0.10.2.dev20260603
libtpu: 0.0.44.dev20260713+nightly
codegen_flags: <defaults>
</compile_context>

<pallas_src>
import functools

import jax
import jax.numpy as jnp
from jax import lax
from jax.experimental import pallas as pl
from jax.experimental.pallas import tpu as pltpu
from jax.experimental.pallas import tpu_sc as plsc

BATCH = 16384
FEAT = 128
NUM_CORES = 2
NUM_SUBCORES = 16
NUM_WORKERS = NUM_CORES * NUM_SUBCORES
ROWS_PER_WORKER = BATCH // NUM_WORKERS
CHUNK = 128
NCHUNK = ROWS_PER_WORKER // CHUNK
PREF = 2
LANES = 16

_mesh = plsc.VectorSubcoreMesh(core_axis_name="c", subcore_axis_name="s")


@functools.partial(
    pl.kernel,
    mesh=_mesh,
    out_type=jax.ShapeDtypeStruct((BATCH, FEAT), jnp.float32),
    scratch_types=[
        pltpu.VMEM((ROWS_PER_WORKER,), jnp.int32),
        pltpu.VMEM((NCHUNK, CHUNK, FEAT), jnp.float32),
        pltpu.VMEM((PREF + 1, CHUNK, FEAT), jnp.float32),
        pltpu.SemaphoreType.DMA,
        pltpu.SemaphoreType.DMA,
        pltpu.SemaphoreType.DMA,
        pltpu.SemaphoreType.DMA,
    ],
)
def _film_sc(x_hbm, ids_hbm, gamma_hbm, beta_hbm, out_hbm,
             idx_v, g_v, x_v, sem_g, sem_b, sem_x, sem_o):
    wid = lax.axis_index("s") * NUM_CORES + lax.axis_index("c")
    base = wid * ROWS_PER_WORKER

    def issue_g(c):
        return pltpu.async_copy(
            gamma_hbm.at[idx_v.at[pl.ds(c * CHUNK, CHUNK)]], g_v.at[c], sem_g)

    def issue_x(c):
        return pltpu.async_copy(
            x_hbm.at[pl.ds(base + c * CHUNK, CHUNK)], x_v.at[c % (PREF + 1)], sem_x)

    pltpu.sync_copy(ids_hbm.at[pl.ds(base, CHUNK)], idx_v.at[pl.ds(0, CHUNK)])
    hg = [None] * NCHUNK
    hx = [None] * NCHUNK
    hg[0] = issue_g(0)
    hx[0] = issue_x(0)
    pltpu.sync_copy(ids_hbm.at[pl.ds(base + CHUNK, ROWS_PER_WORKER - CHUNK)],
                    idx_v.at[pl.ds(CHUNK, ROWS_PER_WORKER - CHUNK)])
    for c in range(1, NCHUNK):
        hg[c] = issue_g(c)
    for c in range(1, PREF):
        hx[c] = issue_x(c)

    badd = [None] * NCHUNK
    wb = [None] * NCHUNK
    for c in range(NCHUNK):
        hg[c].wait()
        hx[c].wait()
        if c + PREF < NCHUNK:
            hx[c + PREF] = issue_x(c + PREF)

        def row_body(r, carry):
            for j in range(FEAT // LANES):
                sl = pl.ds(j * LANES, LANES)
                g_v[c, r, sl] = g_v[c, r, sl] * x_v[c % (PREF + 1), r, sl]
            return carry

        lax.fori_loop(0, CHUNK, row_body, 0)
        badd[c] = pltpu.async_copy(beta_hbm.at[idx_v.at[pl.ds(c * CHUNK, CHUNK)]],
                                   g_v.at[c], sem_b, add=True)
        if c >= 1:
            badd[c - 1].wait()
            wb[c - 1] = pltpu.async_copy(
                g_v.at[c - 1], out_hbm.at[pl.ds(base + (c - 1) * CHUNK, CHUNK)], sem_o)

    badd[NCHUNK - 1].wait()
    wb[NCHUNK - 1] = pltpu.async_copy(
        g_v.at[NCHUNK - 1],
        out_hbm.at[pl.ds(base + (NCHUNK - 1) * CHUNK, CHUNK)], sem_o)
    for hnd in wb:
        hnd.wait()


def kernel(x, domain_ids, gamma, beta):
    return _film_sc(x, domain_ids.astype(jnp.int32), gamma, beta)

# --- scband reference (transcript-rebuilt; emitter-appended) ---
"""Pipeline reference for scband-fi-lm-89593017794760 (READ-ONLY COPY).

The authoritative reference and input builder live on the scoring server;
editing this copy changes nothing except your own understanding.
"""

import jax, jax.numpy as jnp
import numpy as np

FEATURE_DIM = 128
NUM_DOMAINS = 100000
BATCH = 16384

def setup_inputs(seed: int = 0) -> dict:
    key = jax.random.key(seed)
    k1, k2 = jax.random.split(key)
    x = jax.random.normal(k1, (BATCH, FEATURE_DIM), dtype=jnp.float32)
    domain_ids = jax.random.randint(k2, (BATCH,), 0, NUM_DOMAINS, dtype=jnp.int64 if jax.config.jax_enable_x64 else jnp.int32)
    # Learned parameters, initialized to identity transform as in the torch module
    gamma = jnp.ones((NUM_DOMAINS, FEATURE_DIM), dtype=jnp.float32)
    beta = jnp.zeros((NUM_DOMAINS, FEATURE_DIM), dtype=jnp.float32)
    return {"x": x, "domain_ids": domain_ids, "gamma": gamma, "beta": beta}

def reference(x, domain_ids, gamma, beta):
    # Per-sample domain-specific scale and shift (embedding gather)
    g = jnp.take(gamma, domain_ids, axis=0)  # [B, D]
    b = jnp.take(beta, domain_ids, axis=0)   # [B, D]
    return g * x + b

if __name__ == "__main__":
    import jax
    _d = setup_inputs()
    print(jax.jit(kernel)(*tuple(_d.values())))

</pallas_src>

<mosaic_0001>
#map = affine_map<(d0, d1) -> (0, 0)>
#map1 = affine_map<(d0, d1) -> (0)>
module attributes {stable_mosaic.version = 14 : i64} {
  func.func @_film_sc(%arg0: i32, %arg1: i32, %arg2: memref<16384x128xf32, #tpu.memory_space<hbm>>, %arg3: memref<16384xi32, #tpu.memory_space<hbm>>, %arg4: memref<100000x128xf32, #tpu.memory_space<hbm>>, %arg5: memref<100000x128xf32, #tpu.memory_space<hbm>>, %arg6: memref<16384x128xf32, #tpu.memory_space<hbm>>, %arg7: memref<512xi32, #tpu.memory_space<vmem>>, %arg8: memref<4x128x128xf32, #tpu.memory_space<vmem>>, %arg9: memref<3x128x128xf32, #tpu.memory_space<vmem>>, %arg10: memref<!tpu.dma_semaphore, #tpu.memory_space<semaphore_mem>>, %arg11: memref<!tpu.dma_semaphore, #tpu.memory_space<semaphore_mem>>, %arg12: memref<!tpu.dma_semaphore, #tpu.memory_space<semaphore_mem>>, %arg13: memref<!tpu.dma_semaphore, #tpu.memory_space<semaphore_mem>>) attributes {dimension_semantics = [#tpu.dimension_semantics<core_parallel>, #tpu.dimension_semantics<subcore_parallel>], iteration_bounds = array<i64: 2, 16>, scalar_prefetch = 0 : i64, scratch_operands = 7 : i64, tpu.core_type = #tpu.core_type<sc_vector_subcore>, window_params = [{transform_indices = #map}, {transform_indices = #map1}, {transform_indices = #map}, {transform_indices = #map}, {transform_indices = #map}]} {
    %mul3A = arith.constant 2 : i32
    %mul3A_0 = arith.muli %arg1, %mul3A : i32
    %add3A = arith.addi %mul3A_0, %arg0 : i32
    %mul3A_1 = arith.constant 512 : i32
    %mul3A_2 = arith.muli %add3A, %mul3A_1 : i32
    "tpu.region"() ({
      %run_scoped3A = tpu.sem_alloc : memref<!tpu.dma_semaphore, #tpu.memory_space<semaphore_mem>>
      %dma_start3A_410 = arith.constant 0 : i32
      %dma_start3A_411 = tpu.memref_slice %arg7[%dma_start3A_410] : memref<512xi32, #tpu.memory_space<vmem>> -> memref<128xi32, #tpu.memory_space<vmem>>
      %dma_start3A_412 = tpu.memref_slice %arg3[%mul3A_2] : memref<16384xi32, #tpu.memory_space<hbm>> -> memref<128xi32, #tpu.memory_space<hbm>>
      %dma_start3A_413 = arith.constant 0 : i32
      %dma_start3A_414 = tpu.memref_slice %arg7[%dma_start3A_413] : memref<512xi32, #tpu.memory_space<vmem>> -> memref<128xi32, #tpu.memory_space<vmem>>
      %dma_start3A_415 = tpu.memref_slice %arg3[%mul3A_2] : memref<16384xi32, #tpu.memory_space<hbm>> -> memref<128xi32, #tpu.memory_space<hbm>>
      tpu.enqueue_dma source(%dma_start3A_415 : memref<128xi32, #tpu.memory_space<hbm>>) target(%dma_start3A_414 : memref<128xi32, #tpu.memory_space<vmem>>) target_semaphore(%run_scoped3A : memref<!tpu.dma_semaphore, #tpu.memory_space<semaphore_mem>>)
      %dma_wait3A_416 = arith.constant 0 : i32
      %dma_wait3A_417 = tpu.memref_slice %arg7[%dma_wait3A_416] : memref<512xi32, #tpu.memory_space<vmem>> -> memref<128xi32, #tpu.memory_space<vmem>>
      %dma_wait3A_418 = tpu.memref_slice %arg3[%mul3A_2] : memref<16384xi32, #tpu.memory_space<hbm>> -> memref<128xi32, #tpu.memory_space<hbm>>
      %dma_wait3A_419 = arith.constant 0 : i32
      %dma_wait3A_420 = tpu.memref_slice %arg7[%dma_wait3A_419] : memref<512xi32, #tpu.memory_space<vmem>> -> memref<128xi32, #tpu.memory_space<vmem>>
      %dma_wait3A_421 = tpu.memref_slice %arg3[%mul3A_2] : memref<16384xi32, #tpu.memory_space<hbm>> -> memref<128xi32, #tpu.memory_space<hbm>>
      tpu.wait_dma2 semaphore(%run_scoped3A : memref<!tpu.dma_semaphore, #tpu.memory_space<semaphore_mem>>) src(%dma_wait3A_421 : memref<128xi32, #tpu.memory_space<hbm>>) dst(%dma_wait3A_420 : memref<128xi32, #tpu.memory_space<vmem>>)
      tpu.yield
    }) : () -> ()
    %dma_start3A = arith.constant 0 : i32
    %dma_start3A_3 = arith.constant 0 : i32
    %dma_start3A_4 = arith.constant 0 : i32
    %dma_start3A_5 = tpu.memref_slice %arg8[%dma_start3A, %dma_start3A_3, %dma_start3A_4] : memref<4x128x128xf32, #tpu.memory_space<vmem>> -> memref<1x128x128xf32, #tpu.memory_space<vmem>>
    %dma_start3A_6 = tpu.memref_squeeze %dma_start3A_5 : memref<1x128x128xf32, #tpu.memory_space<vmem>> -> memref<128x128xf32, #tpu.memory_space<vmem>>
    %dma_start3A_7 = arith.constant 0 : i32
    %dma_start3A_8 = tpu.memref_slice %arg7[%dma_start3A_7] : memref<512xi32, #tpu.memory_space<vmem>> -> memref<128xi32, #tpu.memory_space<vmem>>
    %dma_start3A_9 = arith.constant 0 : i32
    %dma_start3A_10 = arith.constant 0 : i32
    %dma_start3A_11 = tpu.memref_slice %arg4[%dma_start3A_9, %dma_start3A_10] : memref<100000x128xf32, #tpu.memory_space<hbm>> -> memref<100000x128xf32, #tpu.memory_space<hbm>>
    tpu.enqueue_indirect_dma source(%dma_start3A_11 : memref<100000x128xf32, #tpu.memory_space<hbm>>) target(%dma_start3A_6 : memref<128x128xf32, #tpu.memory_space<vmem>>) offsets(%dma_start3A_8 : memref<128xi32, #tpu.memory_space<vmem>>) semaphore(%arg10 : memref<!tpu.dma_semaphore, #tpu.memory_space<semaphore_mem>>)
    %add3A_12 = arith.constant 0 : i32
    %add3A_13 = arith.addi %mul3A_2, %add3A_12 : i32
    %dma_start3A_14 = arith.constant 0 : i32
    %dma_start3A_15 = arith.constant 0 : i32
    %dma_start3A_16 = arith.constant 0 : i32
    %dma_start3A_17 = tpu.memref_slice %arg9[%dma_start3A_14, %dma_start3A_15, %dma_start3A_16] : memref<3x128x128xf32, #tpu.memory_space<vmem>> -> memref<1x128x128xf32, #tpu.memory_space<vmem>>
    %dma_start3A_18 = tpu.memref_squeeze %dma_start3A_17 : memref<1x128x128xf32, #tpu.memory_space<vmem>> -> memref<128x128xf32, #tpu.memory_space<vmem>>
    %dma_start3A_19 = arith.constant 0 : i32
    %dma_start3A_20 = tpu.memref_slice %arg2[%add3A_13, %dma_start3A_19] : memref<16384x128xf32, #tpu.memory_space<hbm>> -> memref<128x128xf32, #tpu.memory_space<hbm>>
    %dma_start3A_21 = arith.constant 0 : i32
    %dma_start3A_22 = arith.constant 0 : i32
    %dma_start3A_23 = tpu.memref_slice %arg9[%dma_start3A_14, %dma_start3A_21, %dma_start3A_22] : memref<3x128x128xf32, #tpu.memory_space<vmem>> -> memref<1x128x128xf32, #tpu.memory_space<vmem>>
    %dma_start3A_24 = tpu.memref_squeeze %dma_start3A_23 : memref<1x128x128xf32, #tpu.memory_space<vmem>> -> memref<128x128xf32, #tpu.memory_space<vmem>>
    %dma_start3A_25 = arith.constant 0 : i32
    %dma_start3A_26 = tpu.memref_slice %arg2[%add3A_13, %dma_start3A_25] : memref<16384x128xf32, #tpu.memory_space<hbm>> -> memref<128x128xf32, #tpu.memory_space<hbm>>
    tpu.enqueue_dma source(%dma_start3A_26 : memref<128x128xf32, #tpu.memory_space<hbm>>) target(%dma_start3A_24 : memref<128x128xf32, #tpu.memory_space<vmem>>) target_semaphore(%arg12 : memref<!tpu.dma_semaphore, #tpu.memory_space<semaphore_mem>>)
    %add3A_27 = arith.constant 128 : i32
    %add3A_28 = arith.addi %mul3A_2, %add3A_27 : i32
    "tpu.region"() ({
      %run_scoped3A = tpu.sem_alloc : memref<!tpu.dma_semaphore, #tpu.memory_space<semaphore_mem>>
      %dma_start3A_410 = arith.constant 128 : i32
      %dma_start3A_411 = tpu.memref_slice %arg7[%dma_start3A_410] : memref<512xi32, #tpu.memory_space<vmem>> -> memref<384xi32, #tpu.memory_space<vmem>>
      %dma_start3A_412 = tpu.memref_slice %arg3[%add3A_28] : memref<16384xi32, #tpu.memory_space<hbm>> -> memref<384xi32, #tpu.memory_space<hbm>>
      %dma_start3A_413 = arith.constant 128 : i32
      %dma_start3A_414 = tpu.memref_slice %arg7[%dma_start3A_413] : memref<512xi32, #tpu.memory_space<vmem>> -> memref<384xi32, #tpu.memory_space<vmem>>
      %dma_start3A_415 = tpu.memref_slice %arg3[%add3A_28] : memref<16384xi32, #tpu.memory_space<hbm>> -> memref<384xi32, #tpu.memory_space<hbm>>
      tpu.enqueue_dma source(%dma_start3A_415 : memref<384xi32, #tpu.memory_space<hbm>>) target(%dma_start3A_414 : memref<384xi32, #tpu.memory_space<vmem>>) target_semaphore(%run_scoped3A : memref<!tpu.dma_semaphore, #tpu.memory_space<semaphore_mem>>)
      %dma_wait3A_416 = arith.constant 128 : i32
      %dma_wait3A_417 = tpu.memref_slice %arg7[%dma_wait3A_416] : memref<512xi32, #tpu.memory_space<vmem>> -> memref<384xi32, #tpu.memory_space<vmem>>
      %dma_wait3A_418 = tpu.memref_slice %arg3[%add3A_28] : memref<16384xi32, #tpu.memory_space<hbm>> -> memref<384xi32, #tpu.memory_space<hbm>>
      %dma_wait3A_419 = arith.constant 128 : i32
      %dma_wait3A_420 = tpu.memref_slice %arg7[%dma_wait3A_419] : memref<512xi32, #tpu.memory_space<vmem>> -> memref<384xi32, #tpu.memory_space<vmem>>
      %dma_wait3A_421 = tpu.memref_slice %arg3[%add3A_28] : memref<16384xi32, #tpu.memory_space<hbm>> -> memref<384xi32, #tpu.memory_space<hbm>>
      tpu.wait_dma2 semaphore(%run_scoped3A : memref<!tpu.dma_semaphore, #tpu.memory_space<semaphore_mem>>) src(%dma_wait3A_421 : memref<384xi32, #tpu.memory_space<hbm>>) dst(%dma_wait3A_420 : memref<384xi32, #tpu.memory_space<vmem>>)
      tpu.yield
    }) : () -> ()
    %dma_start3A_29 = arith.constant 1 : i32
    %dma_start3A_30 = arith.constant 0 : i32
    %dma_start3A_31 = arith.constant 0 : i32
    %dma_start3A_32 = tpu.memref_slice %arg8[%dma_start3A_29, %dma_start3A_30, %dma_start3A_31] : memref<4x128x128xf32, #tpu.memory_space<vmem>> -> memref<1x128x128xf32, #tpu.memory_space<vmem>>
    %dma_start3A_33 = tpu.memref_squeeze %dma_start3A_32 : memref<1x128x128xf32, #tpu.memory_space<vmem>> -> memref<128x128xf32, #tpu.memory_space<vmem>>
    %dma_start3A_34 = arith.constant 128 : i32
    %dma_start3A_35 = tpu.memref_slice %arg7[%dma_start3A_34] : memref<512xi32, #tpu.memory_space<vmem>> -> memref<128xi32, #tpu.memory_space<vmem>>
    %dma_start3A_36 = arith.constant 0 : i32
    %dma_start3A_37 = arith.constant 0 : i32
    %dma_start3A_38 = tpu.memref_slice %arg4[%dma_start3A_36, %dma_start3A_37] : memref<100000x128xf32, #tpu.memory_space<hbm>> -> memref<100000x128xf32, #tpu.memory_space<hbm>>
    tpu.enqueue_indirect_dma source(%dma_start3A_38 : memref<100000x128xf32, #tpu.memory_space<hbm>>) target(%dma_start3A_33 : memref<128x128xf32, #tpu.memory_space<vmem>>) offsets(%dma_start3A_35 : memref<128xi32, #tpu.memory_space<vmem>>) semaphore(%arg10 : memref<!tpu.dma_semaphore, #tpu.memory_space<semaphore_mem>>)
    %dma_start3A_39 = arith.constant 2 : i32
    %dma_start3A_40 = arith.constant 0 : i32
    %dma_start3A_41 = arith.constant 0 : i32
    %dma_start3A_42 = tpu.memref_slice %arg8[%dma_start3A_39, %dma_start3A_40, %dma_start3A_41] : memref<4x128x128xf32, #tpu.memory_space<vmem>> -> memref<1x128x128xf32, #tpu.memory_space<vmem>>
    %dma_start3A_43 = tpu.memref_squeeze %dma_start3A_42 : memref<1x128x128xf32, #tpu.memory_space<vmem>> -> memref<128x128xf32, #tpu.memory_space<vmem>>
    %dma_start3A_44 = arith.constant 256 : i32
    %dma_start3A_45 = tpu.memref_slice %arg7[%dma_start3A_44] : memref<512xi32, #tpu.memory_space<vmem>> -> memref<128xi32, #tpu.memory_space<vmem>>
    %dma_start3A_46 = arith.constant 0 : i32
    %dma_start3A_47 = arith.constant 0 : i32
    %dma_start3A_48 = tpu.memref_slice %arg4[%dma_start3A_46, %dma_start3A_47] : memref<100000x128xf32, #tpu.memory_space<hbm>> -> memref<100000x128xf32, #tpu.memory_space<hbm>>
    tpu.enqueue_indirect_dma source(%dma_start3A_48 : memref<100000x128xf32, #tpu.memory_space<hbm>>) target(%dma_start3A_43 : memref<128x128xf32, #tpu.memory_space<vmem>>) offsets(%dma_start3A_45 : memref<128xi32, #tpu.memory_space<vmem>>) semaphore(%arg10 : memref<!tpu.dma_semaphore, #tpu.memory_space<semaphore_mem>>)
    %dma_start3A_49 = arith.constant 3 : i32
    %dma_start3A_50 = arith.constant 0 : i32
    %dma_start3A_51 = arith.constant 0 : i32
    %dma_start3A_52 = tpu.memref_slice %arg8[%dma_start3A_49, %dma_start3A_50, %dma_start3A_51] : memref<4x128x128xf32, #tpu.memory_space<vmem>> -> memref<1x128x128xf32, #tpu.memory_space<vmem>>
    %dma_start3A_53 = tpu.memref_squeeze %dma_start3A_52 : memref<1x128x128xf32, #tpu.memory_space<vmem>> -> memref<128x128xf32, #tpu.memory_space<vmem>>
    %dma_start3A_54 = arith.constant 384 : i32
    %dma_start3A_55 = tpu.memref_slice %arg7[%dma_start3A_54] : memref<512xi32, #tpu.memory_space<vmem>> -> memref<128xi32, #tpu.memory_space<vmem>>
    %dma_start3A_56 = arith.constant 0 : i32
    %dma_start3A_57 = arith.constant 0 : i32
    %dma_start3A_58 = tpu.memref_slice %arg4[%dma_start3A_56, %dma_start3A_57] : memref<100000x128xf32, #tpu.memory_space<hbm>> -> memref<100000x128xf32, #tpu.memory_space<hbm>>
    tpu.enqueue_indirect_dma source(%dma_start3A_58 : memref<100000x128xf32, #tpu.memory_space<hbm>>) target(%dma_start3A_53 : memref<128x128xf32, #tpu.memory_space<vmem>>) offsets(%dma_start3A_55 : memref<128xi32, #tpu.memory_space<vmem>>) semaphore(%arg10 : memref<!tpu.dma_semaphore, #tpu.memory_space<semaphore_mem>>)
    %add3A_59 = arith.constant 128 : i32
    %add3A_60 = arith.addi %mul3A_2, %add3A_59 : i32
    %dma_start3A_61 = arith.constant 1 : i32
    %dma_start3A_62 = arith.constant 0 : i32
    %dma_start3A_63 = arith.constant 0 : i32
    %dma_start3A_64 = tpu.memref_slice %arg9[%dma_start3A_61, %dma_start3A_62, %dma_start3A_63] : memref<3x128x128xf32, #tpu.memory_space<vmem>> -> memref<1x128x128xf32, #tpu.memory_space<vmem>>
    %dma_start3A_65 = tpu.memref_squeeze %dma_start3A_64 : memref<1x128x128xf32, #tpu.memory_space<vmem>> -> memref<128x128xf32, #tpu.memory_space<vmem>>
    %dma_start3A_66 = arith.constant 0 : i32
    %dma_start3A_67 = tpu.memref_slice %arg2[%add3A_60, %dma_start3A_66] : memref<16384x128xf32, #tpu.memory_space<hbm>> -> memref<128x128xf32, #tpu.memory_space<hbm>>
    %dma_start3A_68 = arith.constant 0 : i32
    %dma_start3A_69 = arith.constant 0 : i32
    %dma_start3A_70 = tpu.memref_slice %arg9[%dma_start3A_61, %dma_start3A_68, %dma_start3A_69] : memref<3x128x128xf32, #tpu.memory_space<vmem>> -> memref<1x128x128xf32, #tpu.memory_space<vmem>>
    %dma_start3A_71 = tpu.memref_squeeze %dma_start3A_70 : memref<1x128x128xf32, #tpu.memory_space<vmem>> -> memref<128x128xf32, #tpu.memory_space<vmem>>
    %dma_start3A_72 = arith.constant 0 : i32
    %dma_start3A_73 = tpu.memref_slice %arg2[%add3A_60, %dma_start3A_72] : memref<16384x128xf32, #tpu.memory_space<hbm>> -> memref<128x128xf32, #tpu.memory_space<hbm>>
    tpu.enqueue_dma source(%dma_start3A_73 : memref<128x128xf32, #tpu.memory_space<hbm>>) target(%dma_start3A_71 : memref<128x128xf32, #tpu.memory_space<vmem>>) target_semaphore(%arg12 : memref<!tpu.dma_semaphore, #tpu.memory_space<semaphore_mem>>)
    %dma_wait3A = arith.constant 0 : i32
    %dma_wait3A_74 = arith.constant 0 : i32
    %dma_wait3A_75 = arith.constant 0 : i32
    %dma_wait3A_76 = tpu.memref_slice %arg8[%dma_wait3A, %dma_wait3A_74, %dma_wait3A_75] : memref<4x128x128xf32, #tpu.memory_space<vmem>> -> memref<1x128x128xf32, #tpu.memory_space<vmem>>
    %dma_wait3A_77 = tpu.memref_squeeze %dma_wait3A_76 : memref<1x128x128xf32, #tpu.memory_space<vmem>> -> memref<128x128xf32, #tpu.memory_space<vmem>>
    %dma_wait3A_78 = arith.constant 0 : i32
    %dma_wait3A_79 = tpu.memref_slice %arg7[%dma_wait3A_78] : memref<512xi32, #tpu.memory_space<vmem>> -> memref<128xi32, #tpu.memory_space<vmem>>
    %dma_wait3A_80 = arith.constant 0 : i32
    %dma_wait3A_81 = arith.constant 0 : i32
    %dma_wait3A_82 = tpu.memref_slice %arg4[%dma_wait3A_80, %dma_wait3A_81] : memref<100000x128xf32, #tpu.memory_space<hbm>> -> memref<100000x128xf32, #tpu.memory_space<hbm>>
    tpu.wait_indirect_dma semaphore(%arg10 : memref<!tpu.dma_semaphore, #tpu.memory_space<semaphore_mem>>) src(%dma_wait3A_82 : memref<100000x128xf32, #tpu.memory_space<hbm>>) dst(%dma_wait3A_77 : memref<128x128xf32, #tpu.memory_space<vmem>>)
    %dma_wait3A_83 = arith.constant 0 : i32
    %dma_wait3A_84 = arith.constant 0 : i32
    %dma_wait3A_85 = arith.constant 0 : i32
    %dma_wait3A_86 = tpu.memref_slice %arg9[%dma_wait3A_83, %dma_wait3A_84, %dma_wait3A_85] : memref<3x128x128xf32, #tpu.memory_space<vmem>> -> memref<1x128x128xf32, #tpu.memory_space<vmem>>
    %dma_wait3A_87 = tpu.memref_squeeze %dma_wait3A_86 : memref<1x128x128xf32, #tpu.memory_space<vmem>> -> memref<128x128xf32, #tpu.memory_space<vmem>>
    %dma_wait3A_88 = arith.constant 0 : i32
    %dma_wait3A_89 = tpu.memref_slice %arg2[%add3A_13, %dma_wait3A_88] : memref<16384x128xf32, #tpu.memory_space<hbm>> -> memref<128x128xf32, #tpu.memory_space<hbm>>
    %dma_wait3A_90 = arith.constant 0 : i32
    %dma_wait3A_91 = arith.constant 0 : i32
    %dma_wait3A_92 = tpu.memref_slice %arg9[%dma_wait3A_83, %dma_wait3A_90, %dma_wait3A_91] : memref<3x128x128xf32, #tpu.memory_space<vmem>> -> memref<1x128x128xf32, #tpu.memory_space<vmem>>
    %dma_wait3A_93 = tpu.memref_squeeze %dma_wait3A_92 : memref<1x128x128xf32, #tpu.memory_space<vmem>> -> memref<128x128xf32, #tpu.memory_space<vmem>>
    %dma_wait3A_94 = arith.constant 0 : i32
    %dma_wait3A_95 = tpu.memref_slice %arg2[%add3A_13, %dma_wait3A_94] : memref<16384x128xf32, #tpu.memory_space<hbm>> -> memref<128x128xf32, #tpu.memory_space<hbm>>
    tpu.wait_dma2 semaphore(%arg12 : memref<!tpu.dma_semaphore, #tpu.memory_space<semaphore_mem>>) src(%dma_wait3A_95 : memref<128x128xf32, #tpu.memory_space<hbm>>) dst(%dma_wait3A_93 : memref<128x128xf32, #tpu.memory_space<vmem>>)
    %add3A_96 = arith.constant 256 : i32
    %add3A_97 = arith.addi %mul3A_2, %add3A_96 : i32
    %dma_start3A_98 = arith.constant 2 : i32
    %dma_start3A_99 = arith.constant 0 : i32
    %dma_start3A_100 = arith.constant 0 : i32
    %dma_start3A_101 = tpu.memref_slice %arg9[%dma_start3A_98, %dma_start3A_99, %dma_start3A_100] : memref<3x128x128xf32, #tpu.memory_space<vmem>> -> memref<1x128x128xf32, #tpu.memory_space<vmem>>
    %dma_start3A_102 = tpu.memref_squeeze %dma_start3A_101 : memref<1x128x128xf32, #tpu.memory_space<vmem>> -> memref<128x128xf32, #tpu.memory_space<vmem>>
    %dma_start3A_103 = arith.constant 0 : i32
    %dma_start3A_104 = tpu.memref_slice %arg2[%add3A_97, %dma_start3A_103] : memref<16384x128xf32, #tpu.memory_space<hbm>> -> memref<128x128xf32, #tpu.memory_space<hbm>>
    %dma_start3A_105 = arith.constant 0 : i32
    %dma_start3A_106 = arith.constant 0 : i32
    %dma_start3A_107 = tpu.memref_slice %arg9[%dma_start3A_98, %dma_start3A_105, %dma_start3A_106] : memref<3x128x128xf32, #tpu.memory_space<vmem>> -> memref<1x128x128xf32, #tpu.memory_space<vmem>>
    %dma_start3A_108 = tpu.memref_squeeze %dma_start3A_107 : memref<1x128x128xf32, #tpu.memory_space<vmem>> -> memref<128x128xf32, #tpu.memory_space<vmem>>
    %dma_start3A_109 = arith.constant 0 : i32
    %dma_start3A_110 = tpu.memref_slice %arg2[%add3A_97, %dma_start3A_109] : memref<16384x128xf32, #tpu.memory_space<hbm>> -> memref<128x128xf32, #tpu.memory_space<hbm>>
    tpu.enqueue_dma source(%dma_start3A_110 : memref<128x128xf32, #tpu.memory_space<hbm>>) target(%dma_start3A_108 : memref<128x128xf32, #tpu.memory_space<vmem>>) target_semaphore(%arg12 : memref<!tpu.dma_semaphore, #tpu.memory_space<semaphore_mem>>)
    %scan3A = arith.constant 0 : i32
    %scan3A_111 = arith.constant 0 : i32
    %scan3A_112 = arith.constant 128 : i32
    %scan3A_113 = arith.addi %scan3A_111, %scan3A_112 : i32
    %scan3A_114 = arith.constant 1 : i32
    scf.for %scan3A_410 = %scan3A_111 to %scan3A_113 step %scan3A_114  : i32 {
      %get3A = arith.constant 0 : i32
      %get3A_411 = arith.index_cast %get3A : i32 to index
      %get3A_412 = arith.index_cast %scan3A_410 : i32 to index
      %get3A_413 = arith.constant 0 : index
      %get3A_414 = tpu.vector_load %arg8[%get3A_411, %get3A_412, %get3A_413] {strides = array<i32>} : memref<4x128x128xf32, #tpu.memory_space<vmem>>, vector<1x1x16xf32>,
      %get3A_415 = vector.shape_cast %get3A_414 : vector<1x1x16xf32> to vector<16xf32>
      %get3A_416 = arith.constant 0 : i32
      %get3A_417 = arith.index_cast %get3A_416 : i32 to index
      %get3A_418 = arith.index_cast %scan3A_410 : i32 to index
      %get3A_419 = arith.constant 0 : index
      %get3A_420 = tpu.vector_load %arg9[%get3A_417, %get3A_418, %get3A_419] {strides = array<i32>} : memref<3x128x128xf32, #tpu.memory_space<vmem>>, vector<1x1x16xf32>,
      %get3A_421 = vector.shape_cast %get3A_420 : vector<1x1x16xf32> to vector<16xf32>
      %mul3A_422 = arith.mulf %get3A_415, %get3A_421 : vector<16xf32>
      %swap3A = arith.constant 0 : i32
      %swap3A_423 = arith.index_cast %swap3A : i32 to index
      %swap3A_424 = arith.index_cast %scan3A_410 : i32 to index
      %swap3A_425 = arith.constant 0 : index
      %swap3A_426 = tpu.vector_load %arg8[%swap3A_423, %swap3A_424, %swap3A_425] {strides = array<i32>} : memref<4x128x128xf32, #tpu.memory_space<vmem>>, vector<1x1x16xf32>,
      %swap3A_427 = vector.shape_cast %swap3A_426 : vector<1x1x16xf32> to vector<16xf32>
      %swap3A_428 = vector.shape_cast %mul3A_422 : vector<16xf32> to vector<1x1x16xf32>
      tpu.vector_store %arg8[%swap3A_423, %swap3A_424, %swap3A_425], %swap3A_428 {strides = array<i32>} : memref<4x128x128xf32, #tpu.memory_space<vmem>>, vector<1x1x16xf32>,
      %get3A_429 = arith.constant 0 : i32
      %get3A_430 = arith.index_cast %get3A_429 : i32 to index
      %get3A_431 = arith.index_cast %scan3A_410 : i32 to index
      %get3A_432 = arith.constant 16 : index
      %get3A_433 = tpu.vector_load %arg8[%get3A_430, %get3A_431, %get3A_432] {strides = array<i32>} : memref<4x128x128xf32, #tpu.memory_space<vmem>>, vector<1x1x16xf32>,
      %get3A_434 = vector.shape_cast %get3A_433 : vector<1x1x16xf32> to vector<16xf32>
      %get3A_435 = arith.constant 0 : i32
      %get3A_436 = arith.index_cast %get3A_435 : i32 to index
      %get3A_437 = arith.index_cast %scan3A_410 : i32 to index
      %get3A_438 = arith.constant 16 : index
      %get3A_439 = tpu.vector_load %arg9[%get3A_436, %get3A_437, %get3A_438] {strides = array<i32>} : memref<3x128x128xf32, #tpu.memory_space<vmem>>, vector<1x1x16xf32>,
      %get3A_440 = vector.shape_cast %get3A_439 : vector<1x1x16xf32> to vector<16xf32>
      %mul3A_441 = arith.mulf %get3A_434, %get3A_440 : vector<16xf32>
      %swap3A_442 = arith.constant 0 : i32
      %swap3A_443 = arith.index_cast %swap3A_442 : i32 to index
      %swap3A_444 = arith.index_cast %scan3A_410 : i32 to index
      %swap3A_445 = arith.constant 16 : index
      %swap3A_446 = tpu.vector_load %arg8[%swap3A_443, %swap3A_444, %swap3A_445] {strides = array<i32>} : memref<4x128x128xf32, #tpu.memory_space<vmem>>, vector<1x1x16xf32>,
      %swap3A_447 = vector.shape_cast %swap3A_446 : vector<1x1x16xf32> to vector<16xf32>
      %swap3A_448 = vector.shape_cast %mul3A_441 : vector<16xf32> to vector<1x1x16xf32>
      tpu.vector_store %arg8[%swap3A_443, %swap3A_444, %swap3A_445], %swap3A_448 {strides = array<i32>} : memref<4x128x128xf32, #tpu.memory_space<vmem>>, vector<1x1x16xf32>,
      %get3A_449 = arith.constant 0 : i32
      %get3A_450 = arith.index_cast %get3A_449 : i32 to index
      %get3A_451 = arith.index_cast %scan3A_410 : i32 to index
      %get3A_452 = arith.constant 32 : index
      %get3A_453 = tpu.vector_load %arg8[%get3A_450, %get3A_451, %get3A_452] {strides = array<i32>} : memref<4x128x128xf32, #tpu.memory_space<vmem>>, vector<1x1x16xf32>,
      %get3A_454 = vector.shape_cast %get3A_453 : vector<1x1x16xf32> to vector<16xf32>
      %get3A_455 = arith.constant 0 : i32
      %get3A_456 = arith.index_cast %get3A_455 : i32 to index
      %get3A_457 = arith.index_cast %scan3A_410 : i32 to index
      %get3A_458 = arith.constant 32 : index
      %get3A_459 = tpu.vector_load %arg9[%get3A_456, %get3A_457, %get3A_458] {strides = array<i32>} : memref<3x128x128xf32, #tpu.memory_space<vmem>>, vector<1x1x16xf32>,
      %get3A_460 = vector.shape_cast %get3A_459 : vector<1x1x16xf32> to vector<16xf32>
      %mul3A_461 = arith.mulf %get3A_454, %get3A_460 : vector<16xf32>
      %swap3A_462 = arith.constant 0 : i32
      %swap3A_463 = arith.index_cast %swap3A_462 : i32 to index
      %swap3A_464 = arith.index_cast %scan3A_410 : i32 to index
      %swap3A_465 = arith.constant 32 : index
      %swap3A_466 = tpu.vector_load %arg8[%swap3A_463, %swap3A_464, %swap3A_465] {strides = array<i32>} : memref<4x128x128xf32, #tpu.memory_space<vmem>>, vector<1x1x16xf32>,
      %swap3A_467 = vector.shape_cast %swap3A_466 : vector<1x1x16xf32> to vector<16xf32>
      %swap3A_468 = vector.shape_cast %mul3A_461 : vector<16xf32> to vector<1x1x16xf32>
      tpu.vector_store %arg8[%swap3A_463, %swap3A_464, %swap3A_465], %swap3A_468 {strides = array<i32>} : memref<4x128x128xf32, #tpu.memory_space<vmem>>, vector<1x1x16xf32>,
      %get3A_469 = arith.constant 0 : i32
      %get3A_470 = arith.index_cast %get3A_469 : i32 to index
      %get3A_471 = arith.index_cast %scan3A_410 : i32 to index
      %get3A_472 = arith.constant 48 : index
      %get3A_473 = tpu.vector_load %arg8[%get3A_470, %get3A_471, %get3A_472] {strides = array<i32>} : memref<4x128x128xf32, #tpu.memory_space<vmem>>, vector<1x1x16xf32>,
      %get3A_474 = vector.shape_cast %get3A_473 : vector<1x1x16xf32> to vector<16xf32>
      %get3A_475 = arith.constant 0 : i32
      %get3A_476 = arith.index_cast %get3A_475 : i32 to index
      %get3A_477 = arith.index_cast %scan3A_410 : i32 to index
      %get3A_478 = arith.constant 48 : index
      %get3A_479 = tpu.vector_load %arg9[%get3A_476, %get3A_477, %get3A_478] {strides = array<i32>} : memref<3x128x128xf32, #tpu.memory_space<vmem>>, vector<1x1x16xf32>,
      %get3A_480 = vector.shape_cast %get3A_479 : vector<1x1x16xf32> to vector<16xf32>
      %mul3A_481 = arith.mulf %get3A_474, %get3A_480 : vector<16xf32>
      %swap3A_482 = arith.constant 0 : i32
      %swap3A_483 = arith.index_cast %swap3A_482 : i32 to index
      %swap3A_484 = arith.index_cast %scan3A_410 : i32 to index
      %swap3A_485 = arith.constant 48 : index
      %swap3A_486 = tpu.vector_load %arg8[%swap3A_483, %swap3A_484, %swap3A_485] {strides = array<i32>} : memref<4x128x128xf32, #tpu.memory_space<vmem>>, vector<1x1x16xf32>,
      %swap3A_487 = vector.shape_cast %swap3A_486 : vector<1x1x16xf32> to vector<16xf32>
      %swap3A_488 = vector.shape_cast %mul3A_481 : vector<16xf32> to vector<1x1x16xf32>
      tpu.vector_store %arg8[%swap3A_483, %swap3A_484, %swap3A_485], %swap3A_488 {strides = array<i32>} : memref<4x128x128xf32, #tpu.memory_space<vmem>>, vector<1x1x16xf32>,
      %get3A_489 = arith.constant 0 : i32
      %get3A_490 = arith.index_cast %get3A_489 : i32 to index
      %get3A_491 = arith.index_cast %scan3A_410 : i32 to index
      %get3A_492 = arith.constant 64 : index
      %get3A_493 = tpu.vector_load %arg8[%get3A_490, %get3A_491, %get3A_492] {strides = array<i32>} : memref<4x128x128xf32, #tpu.memory_space<vmem>>, vector<1x1x16xf32>,
      %get3A_494 = vector.shape_cast %get3A_493 : vector<1x1x16xf32> to vector<16xf32>
      %get3A_495 = arith.constant 0 : i32
      %get3A_496 = arith.index_cast %get3A_495 : i32 to index
      %get3A_497 = arith.index_cast %scan3A_410 : i32 to index
      %get3A_498 = arith.constant 64 : index
      %get3A_499 = tpu.vector_load %arg9[%get3A_496, %get3A_497, %get3A_498] {strides = array<i32>} : memref<3x128x128xf32, #tpu.memory_space<vmem>>, vector<1x1x16xf32>,
      %get3A_500 = vector.shape_cast %get3A_499 : vector<1x1x16xf32> to vector<16xf32>
      %mul3A_501 = arith.mulf %get3A_494, %get3A_500 : vector<16xf32>
      %swap3A_502 = arith.constant 0 : i32
      %swap3A_503 = arith.index_cast %swap3A_502 : i32 to index
      %swap3A_504 = arith.index_cast %scan3A_410 : i32 to index
      %swap3A_505 = arith.constant 64 : index
      %swap3A_506 = tpu.vector_load %arg8[%swap3A_503, %swap3A_504, %swap3A_505] {strides = array<i32>} : memref<4x128x128xf32, #tpu.memory_space<vmem>>, vector<1x1x16xf32>,
      %swap3A_507 = vector.shape_cast %swap3A_506 : vector<1x1x16xf32> to vector<16xf32>
      %swap3A_508 = vector.shape_cast %mul3A_501 : vector<16xf32> to vector<1x1x16xf32>
      tpu.vector_store %arg8[%swap3A_503, %swap3A_504, %swap3A_505], %swap3A_508 {strides = array<i32>} : memref<4x128x128xf32, #tpu.memory_space<vmem>>, vector<1x1x16xf32>,
      %get3A_509 = arith.constant 0 : i32
      %get3A_510 = arith.index_cast %get3A_509 : i32 to index
      %get3A_511 = arith.index_cast %scan3A_410 : i32 to index
      %get3A_512 = arith.constant 80 : index
      %get3A_513 = tpu.vector_load %arg8[%get3A_510, %get3A_511, %get3A_512] {strides = array<i32>} : memref<4x128x128xf32, #tpu.memory_space<vmem>>, vector<1x1x16xf32>,
      %get3A_514 = vector.shape_cast %get3A_513 : vector<1x1x16xf32> to vector<16xf32>
      %get3A_515 = arith.constant 0 : i32
      %get3A_516 = arith.index_cast %get3A_515 : i32 to index
      %get3A_517 = arith.index_cast %scan3A_410 : i32 to index
      %get3A_518 = arith.constant 80 : index
      %get3A_519 = tpu.vector_load %arg9[%get3A_516, %get3A_517, %get3A_518] {strides = array<i32>} : memref<3x128x128xf32, #tpu.memory_space<vmem>>, vector<1x1x16xf32>,
      %get3A_520 = vector.shape_cast %get3A_519 : vector<1x1x16xf32> to vector<16xf32>
      %mul3A_521 = arith.mulf %get3A_514, %get3A_520 : vector<16xf32>
      %swap3A_522 = arith.constant 0 : i32
      %swap3A_523 = arith.index_cast %swap3A_522 : i32 to index
      %swap3A_524 = arith.index_cast %scan3A_410 : i32 to index
      %swap3A_525 = arith.constant 80 : index
      %swap3A_526 = tpu.vector_load %arg8[%swap3A_523, %swap3A_524, %swap3A_525] {strides = array<i32>} : memref<4x128x128xf32, #tpu.memory_space<vmem>>, vector<1x1x16xf32>,
      %swap3A_527 = vector.shape_cast %swap3A_526 : vector<1x1x16xf32> to vector<16xf32>
      %swap3A_528 = vector.shape_cast %mul3A_521 : vector<16xf32> to vector<1x1x16xf32>
      tpu.vector_store %arg8[%swap3A_523, %swap3A_524, %swap3A_525], %swap3A_528 {strides = array<i32>} : memref<4x128x128xf32, #tpu.memory_space<vmem>>, vector<1x1x16xf32>,
      %get3A_529 = arith.constant 0 : i32
      %get3A_530 = arith.index_cast %get3A_529 : i32 to index
      %get3A_531 = arith.index_cast %scan3A_410 : i32 to index
      %get3A_532 = arith.constant 96 : index
      %get3A_533 = tpu.vector_load %arg8[%get3A_530, %get3A_531, %get3A_532] {strides = array<i32>} : memref<4x128x128xf32, #tpu.memory_space<vmem>>, vector<1x1x16xf32>,
      %get3A_534 = vector.shape_cast %get3A_533 : vector<1x1x16xf32> to vector<16xf32>
      %get3A_535 = arith.constant 0 : i32
      %get3A_536 = arith.index_cast %get3A_535 : i32 to index
      %get3A_537 = arith.index_cast %scan3A_410 : i32 to index
      %get3A_538 = arith.constant 96 : index
      %get3A_539 = tpu.vector_load %arg9[%get3A_536, %get3A_537, %get3A_538] {strides = array<i32>} : memref<3x128x128xf32, #tpu.memory_space<vmem>>, vector<1x1x16xf32>,
      %get3A_540 = vector.shape_cast %get3A_539 : vector<1x1x16xf32> to vector<16xf32>
      %mul3A_541 = arith.mulf %get3A_534, %get3A_540 : vector<16xf32>
      %swap3A_542 = arith.constant 0 : i32
      %swap3A_543 = arith.index_cast %swap3A_542 : i32 to index
      %swap3A_544 = arith.index_cast %scan3A_410 : i32 to index
      %swap3A_545 = arith.constant 96 : index
      %swap3A_546 = tpu.vector_load %arg8[%swap3A_543, %swap3A_544, %swap3A_545] {strides = array<i32>} : memref<4x128x128xf32, #tpu.memory_space<vmem>>, vector<1x1x16xf32>,
      %swap3A_547 = vector.shape_cast %swap3A_546 : vector<1x1x16xf32> to vector<16xf32>
      %swap3A_548 = vector.shape_cast %mul3A_541 : vector<16xf32> to vector<1x1x16xf32>
      tpu.vector_store %arg8[%swap3A_543, %swap3A_544, %swap3A_545], %swap3A_548 {strides = array<i32>} : memref<4x128x128xf32, #tpu.memory_space<vmem>>, vector<1x1x16xf32>,
      %get3A_549 = arith.constant 0 : i32
      %get3A_550 = arith.index_cast %get3A_549 : i32 to index
      %get3A_551 = arith.index_cast %scan3A_410 : i32 to index
      %get3A_552 = arith.constant 112 : index
      %get3A_553 = tpu.vector_load %arg8[%get3A_550, %get3A_551, %get3A_552] {strides = array<i32>} : memref<4x128x128xf32, #tpu.memory_space<vmem>>, vector<1x1x16xf32>,
      %get3A_554 = vector.shape_cast %get3A_553 : vector<1x1x16xf32> to vector<16xf32>
      %get3A_555 = arith.constant 0 : i32
      %get3A_556 = arith.index_cast %get3A_555 : i32 to index
      %get3A_557 = arith.index_cast %scan3A_410 : i32 to index
      %get3A_558 = arith.constant 112 : index
      %get3A_559 = tpu.vector_load %arg9[%get3A_556, %get3A_557, %get3A_558] {strides = array<i32>} : memref<3x128x128xf32, #tpu.memory_space<vmem>>, vector<1x1x16xf32>,
      %get3A_560 = vector.shape_cast %get3A_559 : vector<1x1x16xf32> to vector<16xf32>
      %mul3A_561 = arith.mulf %get3A_554, %get3A_560 : vector<16xf32>
      %swap3A_562 = arith.constant 0 : i32
      %swap3A_563 = arith.index_cast %swap3A_562 : i32 to index
      %swap3A_564 = arith.index_cast %scan3A_410 : i32 to index
      %swap3A_565 = arith.constant 112 : index
      %swap3A_566 = tpu.vector_load %arg8[%swap3A_563, %swap3A_564, %swap3A_565] {strides = array<i32>} : memref<4x128x128xf32, #tpu.memory_space<vmem>>, vector<1x1x16xf32>,
      %swap3A_567 = vector.shape_cast %swap3A_566 : vector<1x1x16xf32> to vector<16xf32>
      %swap3A_568 = vector.shape_cast %mul3A_561 : vector<16xf32> to vector<1x1x16xf32>
      tpu.vector_store %arg8[%swap3A_563, %swap3A_564, %swap3A_565], %swap3A_568 {strides = array<i32>} : memref<4x128x128xf32, #tpu.memory_space<vmem>>, vector<1x1x16xf32>,
    }
    %scan3A_115 = arith.constant 128 : i32
    %dma_start3A_116 = arith.constant 0 : i32
    %dma_start3A_117 = arith.constant 0 : i32
    %dma_start3A_118 = arith.constant 0 : i32
    %dma_start3A_119 = tpu.memref_slice %arg8[%dma_start3A_116, %dma_start3A_117, %dma_start3A_118] : memref<4x128x128xf32, #tpu.memory_space<vmem>> -> memref<1x128x128xf32, #tpu.memory_space<vmem>>
    %dma_start3A_120 = tpu.memref_squeeze %dma_start3A_119 : memref<1x128x128xf32, #tpu.memory_space<vmem>> -> memref<128x128xf32, #tpu.memory_space<vmem>>
    %dma_start3A_121 = arith.constant 0 : i32
    %dma_start3A_122 = tpu.memref_slice %arg7[%dma_start3A_121] : memref<512xi32, #tpu.memory_space<vmem>> -> memref<128xi32, #tpu.memory_space<vmem>>
    %dma_start3A_123 = arith.constant 0 : i32
    %dma_start3A_124 = arith.constant 0 : i32
    %dma_start3A_125 = tpu.memref_slice %arg5[%dma_start3A_123, %dma_start3A_124] : memref<100000x128xf32, #tpu.memory_space<hbm>> -> memref<100000x128xf32, #tpu.memory_space<hbm>>
    tpu.enqueue_indirect_dma source(%dma_start3A_125 : memref<100000x128xf32, #tpu.memory_space<hbm>>) target(%dma_start3A_120 : memref<128x128xf32, #tpu.memory_space<vmem>>) offsets(%dma_start3A_122 : memref<128xi32, #tpu.memory_space<vmem>>) semaphore(%arg11 : memref<!tpu.dma_semaphore, #tpu.memory_space<semaphore_mem>>) {add = true}
    %dma_wait3A_126 = arith.constant 1 : i32
    %dma_wait3A_127 = arith.constant 0 : i32
    %dma_wait3A_128 = arith.constant 0 : i32
    %dma_wait3A_129 = tpu.memref_slice %arg8[%dma_wait3A_126, %dma_wait3A_127, %dma_wait3A_128] : memref<4x128x128xf32, #tpu.memory_space<vmem>> -> memref<1x128x128xf32, #tpu.memory_space<vmem>>
    %dma_wait3A_130 = tpu.memref_squeeze %dma_wait3A_129 : memref<1x128x128xf32, #tpu.memory_space<vmem>> -> memref<128x128xf32, #tpu.memory_space<vmem>>
    %dma_wait3A_131 = arith.constant 128 : i32
    %dma_wait3A_132 = tpu.memref_slice %arg7[%dma_wait3A_131] : memref<512xi32, #tpu.memory_space<vmem>> -> memref<128xi32, #tpu.memory_space<vmem>>
    %dma_wait3A_133 = arith.constant 0 : i32
    %dma_wait3A_134 = arith.constant 0 : i32
    %dma_wait3A_135 = tpu.memref_slice %arg4[%dma_wait3A_133, %dma_wait3A_134] : memref<100000x128xf32, #tpu.memory_space<hbm>> -> memref<100000x128xf32, #tpu.memory_space<hbm>>
    tpu.wait_indirect_dma semaphore(%arg10 : memref<!tpu.dma_semaphore, #tpu.memory_space<semaphore_mem>>) src(%dma_wait3A_135 : memref<100000x128xf32, #tpu.memory_space<hbm>>) dst(%dma_wait3A_130 : memref<128x128xf32, #tpu.memory_space<vmem>>)
    %dma_wait3A_136 = arith.constant 1 : i32
    %dma_wait3A_137 = arith.constant 0 : i32
    %dma_wait3A_138 = arith.constant 0 : i32
    %dma_wait3A_139 = tpu.memref_slice %arg9[%dma_wait3A_136, %dma_wait3A_137, %dma_wait3A_138] : memref<3x128x128xf32, #tpu.memory_space<vmem>> -> memref<1x128x128xf32, #tpu.memory_space<vmem>>
    %dma_wait3A_140 = tpu.memref_squeeze %dma_wait3A_139 : memref<1x128x128xf32, #tpu.memory_space<vmem>> -> memref<128x128xf32, #tpu.memory_space<vmem>>
    %dma_wait3A_141 = arith.constant 0 : i32
    %dma_wait3A_142 = tpu.memref_slice %arg2[%add3A_60, %dma_wait3A_141] : memref<16384x128xf32, #tpu.memory_space<hbm>> -> memref<128x128xf32, #tpu.memory_space<hbm>>
    %dma_wait3A_143 = arith.constant 0 : i32
    %dma_wait3A_144 = arith.constant 0 : i32
    %dma_wait3A_145 = tpu.memref_slice %arg9[%dma_wait3A_136, %dma_wait3A_143, %dma_wait3A_144] : memref<3x128x128xf32, #tpu.memory_space<vmem>> -> memref<1x128x128xf32, #tpu.memory_space<vmem>>
    %dma_wait3A_146 = tpu.memref_squeeze %dma_wait3A_145 : memref<1x128x128xf32, #tpu.memory_space<vmem>> -> memref<128x128xf32, #tpu.memory_space<vmem>>
    %dma_wait3A_147 = arith.constant 0 : i32
    %dma_wait3A_148 = tpu.memref_slice %arg2[%add3A_60, %dma_wait3A_147] : memref<16384x128xf32, #tpu.memory_space<hbm>> -> memref<128x128xf32, #tpu.memory_space<hbm>>
    tpu.wait_dma2 semaphore(%arg12 : memref<!tpu.dma_semaphore, #tpu.memory_space<semaphore_mem>>) src(%dma_wait3A_148 : memref<128x128xf32, #tpu.memory_space<hbm>>) dst(%dma_wait3A_146 : memref<128x128xf32, #tpu.memory_space<vmem>>)
    %add3A_149 = arith.constant 384 : i32
    %add3A_150 = arith.addi %mul3A_2, %add3A_149 : i32
    %dma_start3A_151 = arith.constant 0 : i32
    %dma_start3A_152 = arith.constant 0 : i32
    %dma_start3A_153 = arith.constant 0 : i32
    %dma_start3A_154 = tpu.memref_slice %arg9[%dma_start3A_151, %dma_start3A_152, %dma_start3A_153] : memref<3x128x128xf32, #tpu.memory_space<vmem>> -> memref<1x128x128xf32, #tpu.memory_space<vmem>>
    %dma_start3A_155 = tpu.memref_squeeze %dma_start3A_154 : memref<1x128x128xf32, #tpu.memory_space<vmem>> -> memref<128x128xf32, #tpu.memory_space<vmem>>
    %dma_start3A_156 = arith.constant 0 : i32
    %dma_start3A_157 = tpu.memref_slice %arg2[%add3A_150, %dma_start3A_156] : memref<16384x128xf32, #tpu.memory_space<hbm>> -> memref<128x128xf32, #tpu.memory_space<hbm>>
    %dma_start3A_158 = arith.constant 0 : i32
    %dma_start3A_159 = arith.constant 0 : i32
    %dma_start3A_160 = tpu.memref_slice %arg9[%dma_start3A_151, %dma_start3A_158, %dma_start3A_159] : memref<3x128x128xf32, #tpu.memory_space<vmem>> -> memref<1x128x128xf32, #tpu.memory_space<vmem>>
    %dma_start3A_161 = tpu.memref_squeeze %dma_start3A_160 : memref<1x128x128xf32, #tpu.memory_space<vmem>> -> memref<128x128xf32, #tpu.memory_space<vmem>>
    %dma_start3A_162 = arith.constant 0 : i32
    %dma_start3A_163 = tpu.memref_slice %arg2[%add3A_150, %dma_start3A_162] : memref<16384x128xf32, #tpu.memory_space<hbm>> -> memref<128x128xf32, #tpu.memory_space<hbm>>
    tpu.enqueue_dma source(%dma_start3A_163 : memref<128x128xf32, #tpu.memory_space<hbm>>) target(%dma_start3A_161 : memref<128x128xf32, #tpu.memory_space<vmem>>) target_semaphore(%arg12 : memref<!tpu.dma_semaphore, #tpu.memory_space<semaphore_mem>>)
    %scan3A_164 = arith.constant 0 : i32
    %scan3A_165 = arith.constant 0 : i32
    %scan3A_166 = arith.constant 128 : i32
    %scan3A_167 = arith.addi %scan3A_165, %scan3A_166 : i32
    %scan3A_168 = arith.constant 1 : i32
    scf.for %scan3A_410 = %scan3A_165 to %scan3A_167 step %scan3A_168  : i32 {
      %get3A = arith.constant 1 : i32
      %get3A_411 = arith.index_cast %get3A : i32 to index
      %get3A_412 = arith.index_cast %scan3A_410 : i32 to index
      %get3A_413 = arith.constant 0 : index
      %get3A_414 = tpu.vector_load %arg8[%get3A_411, %get3A_412, %get3A_413] {strides = array<i32>} : memref<4x128x128xf32, #tpu.memory_space<vmem>>, vector<1x1x16xf32>,
      %get3A_415 = vector.shape_cast %get3A_414 : vector<1x1x16xf32> to vector<16xf32>
      %get3A_416 = arith.constant 1 : i32
      %get3A_417 = arith.index_cast %get3A_416 : i32 to index
      %get3A_418 = arith.index_cast %scan3A_410 : i32 to index
      %get3A_419 = arith.constant 0 : index
      %get3A_420 = tpu.vector_load %arg9[%get3A_417, %get3A_418, %get3A_419] {strides = array<i32>} : memref<3x128x128xf32, #tpu.memory_space<vmem>>, vector<1x1x16xf32>,
      %get3A_421 = vector.shape_cast %get3A_420 : vector<1x1x16xf32> to vector<16xf32>
      %mul3A_422 = arith.mulf %get3A_415, %get3A_421 : vector<16xf32>
      %swap3A = arith.constant 1 : i32
      %swap3A_423 = arith.index_cast %swap3A : i32 to index
      %swap3A_424 = arith.index_cast %scan3A_410 : i32 to index
      %swap3A_425 = arith.constant 0 : index
      %swap3A_426 = tpu.vector_load %arg8[%swap3A_423, %swap3A_424, %swap3A_425] {strides = array<i32>} : memref<4x128x128xf32, #tpu.memory_space<vmem>>, vector<1x1x16xf32>,
      %swap3A_427 = vector.shape_cast %swap3A_426 : vector<1x1x16xf32> to vector<16xf32>
      %swap3A_428 = vector.shape_cast %mul3A_422 : vector<16xf32> to vector<1x1x16xf32>
      tpu.vector_store %arg8[%swap3A_423, %swap3A_424, %swap3A_425], %swap3A_428 {strides = array<i32>} : memref<4x128x128xf32, #tpu.memory_space<vmem>>, vector<1x1x16xf32>,
      %get3A_429 = arith.constant 1 : i32
      %get3A_430 = arith.index_cast %get3A_429 : i32 to index
      %get3A_431 = arith.index_cast %scan3A_410 : i32 to index
      %get3A_432 = arith.constant 16 : index
      %get3A_433 = tpu.vector_load %arg8[%get3A_430, %get3A_431, %get3A_432] {strides = array<i32>} : memref<4x128x128xf32, #tpu.memory_space<vmem>>, vector<1x1x16xf32>,
      %get3A_434 = vector.shape_cast %get3A_433 : vector<1x1x16xf32> to vector<16xf32>
      %get3A_435 = arith.constant 1 : i32
      %get3A_436 = arith.index_cast %get3A_435 : i32 to index
      %get3A_437 = arith.index_cast %scan3A_410 : i32 to index
      %get3A_438 = arith.constant 16 : index
      %get3A_439 = tpu.vector_load %arg9[%get3A_436, %get3A_437, %get3A_438] {strides = array<i32>} : memref<3x128x128xf32, #tpu.memory_space<vmem>>, vector<1x1x16xf32>,
      %get3A_440 = vector.shape_cast %get3A_439 : vector<1x1x16xf32> to vector<16xf32>
      %mul3A_441 = arith.mulf %get3A_434, %get3A_440 : vector<16xf32>
      %swap3A_442 = arith.constant 1 : i32
      %swap3A_443 = arith.index_cast %swap3A_442 : i32 to index
      %swap3A_444 = arith.index_cast %scan3A_410 : i32 to index
      %swap3A_445 = arith.constant 16 : index
      %swap3A_446 = tpu.vector_load %arg8[%swap3A_443, %swap3A_444, %swap3A_445] {strides = array<i32>} : memref<4x128x128xf32, #tpu.memory_space<vmem>>, vector<1x1x16xf32>,
      %swap3A_447 = vector.shape_cast %swap3A_446 : vector<1x1x16xf32> to vector<16xf32>
      %swap3A_448 = vector.shape_cast %mul3A_441 : vector<16xf32> to vector<1x1x16xf32>
      tpu.vector_store %arg8[%swap3A_443, %swap3A_444, %swap3A_445], %swap3A_448 {strides = array<i32>} : memref<4x128x128xf32, #tpu.memory_space<vmem>>, vector<1x1x16xf32>,
      %get3A_449 = arith.constant 1 : i32
      %get3A_450 = arith.index_cast %get3A_449 : i32 to index
      %get3A_451 = arith.index_cast %scan3A_410 : i32 to index
      %get3A_452 = arith.constant 32 : index
      %get3A_453 = tpu.vector_load %arg8[%get3A_450, %get3A_451, %get3A_452] {strides = array<i32>} : memref<4x128x128xf32, #tpu.memory_space<vmem>>, vector<1x1x16xf32>,
      %get3A_454 = vector.shape_cast %get3A_453 : vector<1x1x16xf32> to vector<16xf32>
      %get3A_455 = arith.constant 1 : i32
      %get3A_456 = arith.index_cast %get3A_455 : i32 to index
      %get3A_457 = arith.index_cast %scan3A_410 : i32 to index
      %get3A_458 = arith.constant 32 : index
      %get3A_459 = tpu.vector_load %arg9[%get3A_456, %get3A_457, %get3A_458] {strides = array<i32>} : memref<3x128x128xf32, #tpu.memory_space<vmem>>, vector<1x1x16xf32>,
      %get3A_460 = vector.shape_cast %get3A_459 : vector<1x1x16xf32> to vector<16xf32>
      %mul3A_461 = arith.mulf %get3A_454, %get3A_460 : vector<16xf32>
      %swap3A_462 = arith.constant 1 : i32
      %swap3A_463 = arith.index_cast %swap3A_462 : i32 to index
      %swap3A_464 = arith.index_cast %scan3A_410 : i32 to index
      %swap3A_465 = arith.constant 32 : index
      %swap3A_466 = tpu.vector_load %arg8[%swap3A_463, %swap3A_464, %swap3A_465] {strides = array<i32>} : memref<4x128x128xf32, #tpu.memory_space<vmem>>, vector<1x1x16xf32>,
      %swap3A_467 = vector.shape_cast %swap3A_466 : vector<1x1x16xf32> to vector<16xf32>
      %swap3A_468 = vector.shape_cast %mul3A_461 : vector<16xf32> to vector<1x1x16xf32>
      tpu.vector_store %arg8[%swap3A_463, %swap3A_464, %swap3A_465], %swap3A_468 {strides = array<i32>} : memref<4x128x128xf32, #tpu.memory_space<vmem>>, vector<1x1x16xf32>,
      %get3A_469 = arith.constant 1 : i32
      %get3A_470 = arith.index_cast %get3A_469 : i32 to index
      %get3A_471 = arith.index_cast %scan3A_410 : i32 to index
      %get3A_472 = arith.constant 48 : index
      %get3A_473 = tpu.vector_load %arg8[%get3A_470, %get3A_471, %get3A_472] {strides = array<i32>} : memref<4x128x128xf32, #tpu.memory_space<vmem>>, vector<1x1x16xf32>,
      %get3A_474 = vector.shape_cast %get3A_473 : vector<1x1x16xf32> to vector<16xf32>
      %get3A_475 = arith.constant 1 : i32
      %get3A_476 = arith.index_cast %get3A_475 : i32 to index
      %get3A_477 = arith.index_cast %scan3A_410 : i32 to index
      %get3A_478 = arith.constant 48 : index
      %get3A_479 = tpu.vector_load %arg9[%get3A_476, %get3A_477, %get3A_478] {strides = array<i32>} : memref<3x128x128xf32, #tpu.memory_space<vmem>>, vector<1x1x16xf32>,
      %get3A_480 = vector.shape_cast %get3A_479 : vector<1x1x16xf32> to vector<16xf32>
      %mul3A_481 = arith.mulf %get3A_474, %get3A_480 : vector<16xf32>
      %swap3A_482 = arith.constant 1 : i32
      %swap3A_483 = arith.index_cast %swap3A_482 : i32 to index
      %swap3A_484 = arith.index_cast %scan3A_410 : i32 to index
      %swap3A_485 = arith.constant 48 : index
      %swap3A_486 = tpu.vector_load %arg8[%swap3A_483, %swap3A_484, %swap3A_485] {strides = array<i32>} : memref<4x128x128xf32, #tpu.memory_space<vmem>>, vector<1x1x16xf32>,
      %swap3A_487 = vector.shape_cast %swap3A_486 : vector<1x1x16xf32> to vector<16xf32>
      %swap3A_488 = vector.shape_cast %mul3A_481 : vector<16xf32> to vector<1x1x16xf32>
      tpu.vector_store %arg8[%swap3A_483, %swap3A_484, %swap3A_485], %swap3A_488 {strides = array<i32>} : memref<4x128x128xf32, #tpu.memory_space<vmem>>, vector<1x1x16xf32>,
      %get3A_489 = arith.constant 1 : i32
      %get3A_490 = arith.index_cast %get3A_489 : i32 to index
      %get3A_491 = arith.index_cast %scan3A_410 : i32 to index
      %get3A_492 = arith.constant 64 : index
      %get3A_493 = tpu.vector_load %arg8[%get3A_490, %get3A_491, %get3A_492] {strides = array<i32>} : memref<4x128x128xf32, #tpu.memory_space<vmem>>, vector<1x1x16xf32>,
      %get3A_494 = vector.shape_cast %get3A_493 : vector<1x1x16xf32> to vector<16xf32>
      %get3A_495 = arith.constant 1 : i32
      %get3A_496 = arith.index_cast %get3A_495 : i32 to index
      %get3A_497 = arith.index_cast %scan3A_410 : i32 to index
      %get3A_498 = arith.constant 64 : index
      %get3A_499 = tpu.vector_load %arg9[%get3A_496, %get3A_497, %get3A_498] {strides = array<i32>} : memref<3x128x128xf32, #tpu.memory_space<vmem>>, vector<1x1x16xf32>,
      %get3A_500 = vector.shape_cast %get3A_499 : vector<1x1x16xf32> to vector<16xf32>
      %mul3A_501 = arith.mulf %get3A_494, %get3A_500 : vector<16xf32>
      %swap3A_502 = arith.constant 1 : i32
      %swap3A_503 = arith.index_cast %swap3A_502 : i32 to index
      %swap3A_504 = arith.index_cast %scan3A_410 : i32 to index
      %swap3A_505 = arith.constant 64 : index
      %swap3A_506 = tpu.vector_load %arg8[%swap3A_503, %swap3A_504, %swap3A_505] {strides = array<i32>} : memref<4x128x128xf32, #tpu.memory_space<vmem>>, vector<1x1x16xf32>,
      %swap3A_507 = vector.shape_cast %swap3A_506 : vector<1x1x16xf32> to vector<16xf32>
      %swap3A_508 = vector.shape_cast %mul3A_501 : vector<16xf32> to vector<1x1x16xf32>
      tpu.vector_store %arg8[%swap3A_503, %swap3A_504, %swap3A_505], %swap3A_508 {strides = array<i32>} : memref<4x128x128xf32, #tpu.memory_space<vmem>>, vector<1x1x16xf32>,
      %get3A_509 = arith.constant 1 : i32
      %get3A_510 = arith.index_cast %get3A_509 : i32 to index
      %get3A_511 = arith.index_cast %scan3A_410 : i32 to index
      %get3A_512 = arith.constant 80 : index
      %get3A_513 = tpu.vector_load %arg8[%get3A_510, %get3A_511, %get3A_512] {strides = array<i32>} : memref<4x128x128xf32, #tpu.memory_space<vmem>>, vector<1x1x16xf32>,
      %get3A_514 = vector.shape_cast %get3A_513 : vector<1x1x16xf32> to vector<16xf32>
      %get3A_515 = arith.constant 1 : i32
      %get3A_516 = arith.index_cast %get3A_515 : i32 to index
      %get3A_517 = arith.index_cast %scan3A_410 : i32 to index
      %get3A_518 = arith.constant 80 : index
      %get3A_519 = tpu.vector_load %arg9[%get3A_516, %get3A_517, %get3A_518] {strides = array<i32>} : memref<3x128x128xf32, #tpu.memory_space<vmem>>, vector<1x1x16xf32>,
      %get3A_520 = vector.shape_cast %get3A_519 : vector<1x1x16xf32> to vector<16xf32>
      %mul3A_521 = arith.mulf %get3A_514, %get3A_520 : vector<16xf32>
      %swap3A_522 = arith.constant 1 : i32
      %swap3A_523 = arith.index_cast %swap3A_522 : i32 to index
      %swap3A_524 = arith.index_cast %scan3A_410 : i32 to index
      %swap3A_525 = arith.constant 80 : index
      %swap3A_526 = tpu.vector_load %arg8[%swap3A_523, %swap3A_524, %swap3A_525] {strides = array<i32>} : memref<4x128x128xf32, #tpu.memory_space<vmem>>, vector<1x1x16xf32>,
      %swap3A_527 = vector.shape_cast %swap3A_526 : vector<1x1x16xf32> to vector<16xf32>
      %swap3A_528 = vector.shape_cast %mul3A_521 : vector<16xf32> to vector<1x1x16xf32>
      tpu.vector_store %arg8[%swap3A_523, %swap3A_524, %swap3A_525], %swap3A_528 {strides = array<i32>} : memref<4x128x128xf32, #tpu.memory_space<vmem>>, vector<1x1x16xf32>,
      %get3A_529 = arith.constant 1 : i32
      %get3A_530 = arith.index_cast %get3A_529 : i32 to index
      %get3A_531 = arith.index_cast %scan3A_410 : i32 to index
      %get3A_532 = arith.constant 96 : index
      %get3A_533 = tpu.vector_load %arg8[%get3A_530, %get3A_531, %get3A_532] {strides = array<i32>} : memref<4x128x128xf32, #tpu.memory_space<vmem>>, vector<1x1x16xf32>,
      %get3A_534 = vector.shape_cast %get3A_533 : vector<1x1x16xf32> to vector<16xf32>
      %get3A_535 = arith.constant 1 : i32
      %get3A_536 = arith.index_cast %get3A_535 : i32 to index
      %get3A_537 = arith.index_cast %scan3A_410 : i32 to index
      %get3A_538 = arith.constant 96 : index
      %get3A_539 = tpu.vector_load %arg9[%get3A_536, %get3A_537, %get3A_538] {strides = array<i32>} : memref<3x128x128xf32, #tpu.memory_space<vmem>>, vector<1x1x16xf32>,
      %get3A_540 = vector.shape_cast %get3A_539 : vector<1x1x16xf32> to vector<16xf32>
      %mul3A_541 = arith.mulf %get3A_534, %get3A_540 : vector<16xf32>
      %swap3A_542 = arith.constant 1 : i32
      %swap3A_543 = arith.index_cast %swap3A_542 : i32 to index
      %swap3A_544 = arith.index_cast %scan3A_410 : i32 to index
      %swap3A_545 = arith.constant 96 : index
      %swap3A_546 = tpu.vector_load %arg8[%swap3A_543, %swap3A_544, %swap3A_545] {strides = array<i32>} : memref<4x128x128xf32, #tpu.memory_space<vmem>>, vector<1x1x16xf32>,
      %swap3A_547 = vector.shape_cast %swap3A_546 : vector<1x1x16xf32> to vector<16xf32>
      %swap3A_548 = vector.shape_cast %mul3A_541 : vector<16xf32> to vector<1x1x16xf32>
      tpu.vector_store %arg8[%swap3A_543, %swap3A_544, %swap3A_545], %swap3A_548 {strides = array<i32>} : memref<4x128x128xf32, #tpu.memory_space<vmem>>, vector<1x1x16xf32>,
      %get3A_549 = arith.constant 1 : i32
      %get3A_550 = arith.index_cast %get3A_549 : i32 to index
      %get3A_551 = arith.index_cast %scan3A_410 : i32 to index
      %get3A_552 = arith.constant 112 : index
      %get3A_553 = tpu.vector_load %arg8[%get3A_550, %get3A_551, %get3A_552] {strides = array<i32>} : memref<4x128x128xf32, #tpu.memory_space<vmem>>, vector<1x1x16xf32>,
      %get3A_554 = vector.shape_cast %get3A_553 : vector<1x1x16xf32> to vector<16xf32>
      %get3A_555 = arith.constant 1 : i32
      %get3A_556 = arith.index_cast %get3A_555 : i32 to index
      %get3A_557 = arith.index_cast %scan3A_410 : i32 to index
      %get3A_558 = arith.constant 112 : index
      %get3A_559 = tpu.vector_load %arg9[%get3A_556, %get3A_557, %get3A_558] {strides = array<i32>} : memref<3x128x128xf32, #tpu.memory_space<vmem>>, vector<1x1x16xf32>,
      %get3A_560 = vector.shape_cast %get3A_559 : vector<1x1x16xf32> to vector<16xf32>
      %mul3A_561 = arith.mulf %get3A_554, %get3A_560 : vector<16xf32>
      %swap3A_562 = arith.constant 1 : i32
      %swap3A_563 = arith.index_cast %swap3A_562 : i32 to index
      %swap3A_564 = arith.index_cast %scan3A_410 : i32 to index
      %swap3A_565 = arith.constant 112 : index
      %swap3A_566 = tpu.vector_load %arg8[%swap3A_563, %swap3A_564, %swap3A_565] {strides = array<i32>} : memref<4x128x128xf32, #tpu.memory_space<vmem>>, vector<1x1x16xf32>,
      %swap3A_567 = vector.shape_cast %swap3A_566 : vector<1x1x16xf32> to vector<16xf32>
      %swap3A_568 = vector.shape_cast %mul3A_561 : vector<16xf32> to vector<1x1x16xf32>
      tpu.vector_store %arg8[%swap3A_563, %swap3A_564, %swap3A_565], %swap3A_568 {strides = array<i32>} : memref<4x128x128xf32, #tpu.memory_space<vmem>>, vector<1x1x16xf32>,
    }
    %scan3A_169 = arith.constant 128 : i32
    %dma_start3A_170 = arith.constant 1 : i32
    %dma_start3A_171 = arith.constant 0 : i32
    %dma_start3A_172 = arith.constant 0 : i32
    %dma_start3A_173 = tpu.memref_slice %arg8[%dma_start3A_170, %dma_start3A_171, %dma_start3A_172] : memref<4x128x128xf32, #tpu.memory_space<vmem>> -> memref<1x128x128xf32, #tpu.memory_space<vmem>>
    %dma_start3A_174 = tpu.memref_squeeze %dma_start3A_173 : memref<1x128x128xf32, #tpu.memory_space<vmem>> -> memref<128x128xf32, #tpu.memory_space<vmem>>
    %dma_start3A_175 = arith.constant 128 : i32
    %dma_start3A_176 = tpu.memref_slice %arg7[%dma_start3A_175] : memref<512xi32, #tpu.memory_space<vmem>> -> memref<128xi32, #tpu.memory_space<vmem>>
    %dma_start3A_177 = arith.constant 0 : i32
    %dma_start3A_178 = arith.constant 0 : i32
    %dma_start3A_179 = tpu.memref_slice %arg5[%dma_start3A_177, %dma_start3A_178] : memref<100000x128xf32, #tpu.memory_space<hbm>> -> memref<100000x128xf32, #tpu.memory_space<hbm>>
    tpu.enqueue_indirect_dma source(%dma_start3A_179 : memref<100000x128xf32, #tpu.memory_space<hbm>>) target(%dma_start3A_174 : memref<128x128xf32, #tpu.memory_space<vmem>>) offsets(%dma_start3A_176 : memref<128xi32, #tpu.memory_space<vmem>>) semaphore(%arg11 : memref<!tpu.dma_semaphore, #tpu.memory_space<semaphore_mem>>) {add = true}
    %dma_wait3A_180 = arith.constant 0 : i32
    %dma_wait3A_181 = arith.constant 0 : i32
    %dma_wait3A_182 = arith.constant 0 : i32
    %dma_wait3A_183 = tpu.memref_slice %arg8[%dma_wait3A_180, %dma_wait3A_181, %dma_wait3A_182] : memref<4x128x128xf32, #tpu.memory_space<vmem>> -> memref<1x128x128xf32, #tpu.memory_space<vmem>>
    %dma_wait3A_184 = tpu.memref_squeeze %dma_wait3A_183 : memref<1x128x128xf32, #tpu.memory_space<vmem>> -> memref<128x128xf32, #tpu.memory_space<vmem>>
    %dma_wait3A_185 = arith.constant 0 : i32
    %dma_wait3A_186 = tpu.memref_slice %arg7[%dma_wait3A_185] : memref<512xi32, #tpu.memory_space<vmem>> -> memref<128xi32, #tpu.memory_space<vmem>>
    %dma_wait3A_187 = arith.constant 0 : i32
    %dma_wait3A_188 = arith.constant 0 : i32
    %dma_wait3A_189 = tpu.memref_slice %arg5[%dma_wait3A_187, %dma_wait3A_188] : memref<100000x128xf32, #tpu.memory_space<hbm>> -> memref<100000x128xf32, #tpu.memory_space<hbm>>
    tpu.wait_indirect_dma semaphore(%arg11 : memref<!tpu.dma_semaphore, #tpu.memory_space<semaphore_mem>>) src(%dma_wait3A_189 : memref<100000x128xf32, #tpu.memory_space<hbm>>) dst(%dma_wait3A_184 : memref<128x128xf32, #tpu.memory_space<vmem>>)
    %add3A_190 = arith.constant 0 : i32
    %add3A_191 = arith.addi %mul3A_2, %add3A_190 : i32
    %dma_start3A_192 = arith.constant 0 : i32
    %dma_start3A_193 = arith.constant 0 : i32
    %dma_start3A_194 = arith.constant 0 : i32
    %dma_start3A_195 = tpu.memref_slice %arg8[%dma_start3A_192, %dma_start3A_193, %dma_start3A_194] : memref<4x128x128xf32, #tpu.memory_space<vmem>> -> memref<1x128x128xf32, #tpu.memory_space<vmem>>
    %dma_start3A_196 = tpu.memref_squeeze %dma_start3A_195 : memref<1x128x128xf32, #tpu.memory_space<vmem>> -> memref<128x128xf32, #tpu.memory_space<vmem>>
    %dma_start3A_197 = arith.constant 0 : i32
    %dma_start3A_198 = tpu.memref_slice %arg6[%add3A_191, %dma_start3A_197] : memref<16384x128xf32, #tpu.memory_space<hbm>> -> memref<128x128xf32, #tpu.memory_space<hbm>>
    %dma_start3A_199 = arith.constant 0 : i32
    %dma_start3A_200 = tpu.memref_slice %arg6[%add3A_191, %dma_start3A_199] : memref<16384x128xf32, #tpu.memory_space<hbm>> -> memref<128x128xf32, #tpu.memory_space<hbm>>
    %dma_start3A_201 = arith.constant 0 : i32
    %dma_start3A_202 = arith.constant 0 : i32
    %dma_start3A_203 = tpu.memref_slice %arg8[%dma_start3A_192, %dma_start3A_201, %dma_start3A_202] : memref<4x128x128xf32, #tpu.memory_space<vmem>> -> memref<1x128x128xf32, #tpu.memory_space<vmem>>
    %dma_start3A_204 = tpu.memref_squeeze %dma_start3A_203 : memref<1x128x128xf32, #tpu.memory_space<vmem>> -> memref<128x128xf32, #tpu.memory_space<vmem>>
    tpu.enqueue_dma source(%dma_start3A_204 : memref<128x128xf32, #tpu.memory_space<vmem>>) target(%dma_start3A_200 : memref<128x128xf32, #tpu.memory_space<hbm>>) target_semaphore(%arg13 : memref<!tpu.dma_semaphore, #tpu.memory_space<semaphore_mem>>)
    %dma_wait3A_205 = arith.constant 2 : i32
    %dma_wait3A_206 = arith.constant 0 : i32
    %dma_wait3A_207 = arith.constant 0 : i32
    %dma_wait3A_208 = tpu.memref_slice %arg8[%dma_wait3A_205, %dma_wait3A_206, %dma_wait3A_207] : memref<4x128x128xf32, #tpu.memory_space<vmem>> -> memref<1x128x128xf32, #tpu.memory_space<vmem>>
    %dma_wait3A_209 = tpu.memref_squeeze %dma_wait3A_208 : memref<1x128x128xf32, #tpu.memory_space<vmem>> -> memref<128x128xf32, #tpu.memory_space<vmem>>
    %dma_wait3A_210 = arith.constant 256 : i32
    %dma_wait3A_211 = tpu.memref_slice %arg7[%dma_wait3A_210] : memref<512xi32, #tpu.memory_space<vmem>> -> memref<128xi32, #tpu.memory_space<vmem>>
    %dma_wait3A_212 = arith.constant 0 : i32
    %dma_wait3A_213 = arith.constant 0 : i32
    %dma_wait3A_214 = tpu.memref_slice %arg4[%dma_wait3A_212, %dma_wait3A_213] : memref<100000x128xf32, #tpu.memory_space<hbm>> -> memref<100000x128xf32, #tpu.memory_space<hbm>>
    tpu.wait_indirect_dma semaphore(%arg10 : memref<!tpu.dma_semaphore, #tpu.memory_space<semaphore_mem>>) src(%dma_wait3A_214 : memref<100000x128xf32, #tpu.memory_space<hbm>>) dst(%dma_wait3A_209 : memref<128x128xf32, #tpu.memory_space<vmem>>)
    %dma_wait3A_215 = arith.constant 2 : i32
    %dma_wait3A_216 = arith.constant 0 : i32
    %dma_wait3A_217 = arith.constant 0 : i32
    %dma_wait3A_218 = tpu.memref_slice %arg9[%dma_wait3A_215, %dma_wait3A_216, %dma_wait3A_217] : memref<3x128x128xf32, #tpu.memory_space<vmem>> -> memref<1x128x128xf32, #tpu.memory_space<vmem>>
    %dma_wait3A_219 = tpu.memref_squeeze %dma_wait3A_218 : memref<1x128x128xf32, #tpu.memory_space<vmem>> -> memref<128x128xf32, #tpu.memory_space<vmem>>
    %dma_wait3A_220 = arith.constant 0 : i32
    %dma_wait3A_221 = tpu.memref_slice %arg2[%add3A_97, %dma_wait3A_220] : memref<16384x128xf32, #tpu.memory_space<hbm>> -> memref<128x128xf32, #tpu.memory_space<hbm>>
    %dma_wait3A_222 = arith.constant 0 : i32
    %dma_wait3A_223 = arith.constant 0 : i32
    %dma_wait3A_224 = tpu.memref_slice %arg9[%dma_wait3A_215, %dma_wait3A_222, %dma_wait3A_223] : memref<3x128x128xf32, #tpu.memory_space<vmem>> -> memref<1x128x128xf32, #tpu.memory_space<vmem>>
    %dma_wait3A_225 = tpu.memref_squeeze %dma_wait3A_224 : memref<1x128x128xf32, #tpu.memory_space<vmem>> -> memref<128x128xf32, #tpu.memory_space<vmem>>
    %dma_wait3A_226 = arith.constant 0 : i32
    %dma_wait3A_227 = tpu.memref_slice %arg2[%add3A_97, %dma_wait3A_226] : memref<16384x128xf32, #tpu.memory_space<hbm>> -> memref<128x128xf32, #tpu.memory_space<hbm>>
    tpu.wait_dma2 semaphore(%arg12 : memref<!tpu.dma_semaphore, #tpu.memory_space<semaphore_mem>>) src(%dma_wait3A_227 : memref<128x128xf32, #tpu.memory_space<hbm>>) dst(%dma_wait3A_225 : memref<128x128xf32, #tpu.memory_space<vmem>>)
    %scan3A_228 = arith.constant 0 : i32
    %scan3A_229 = arith.constant 0 : i32
    %scan3A_230 = arith.constant 128 : i32
    %scan3A_231 = arith.addi %scan3A_229, %scan3A_230 : i32
    %scan3A_232 = arith.constant 1 : i32
    scf.for %scan3A_410 = %scan3A_229 to %scan3A_231 step %scan3A_232  : i32 {
      %get3A = arith.constant 2 : i32
      %get3A_411 = arith.index_cast %get3A : i32 to index
      %get3A_412 = arith.index_cast %scan3A_410 : i32 to index
      %get3A_413 = arith.constant 0 : index
      %get3A_414 = tpu.vector_load %arg8[%get3A_411, %get3A_412, %get3A_413] {strides = array<i32>} : memref<4x128x128xf32, #tpu.memory_space<vmem>>, vector<1x1x16xf32>,
      %get3A_415 = vector.shape_cast %get3A_414 : vector<1x1x16xf32> to vector<16xf32>
      %get3A_416 = arith.constant 2 : i32
      %get3A_417 = arith.index_cast %get3A_416 : i32 to index
      %get3A_418 = arith.index_cast %scan3A_410 : i32 to index
      %get3A_419 = arith.constant 0 : index
      %get3A_420 = tpu.vector_load %arg9[%get3A_417, %get3A_418, %get3A_419] {strides = array<i32>} : memref<3x128x128xf32, #tpu.memory_space<vmem>>, vector<1x1x16xf32>,
      %get3A_421 = vector.shape_cast %get3A_420 : vector<1x1x16xf32> to vector<16xf32>
      %mul3A_422 = arith.mulf %get3A_415, %get3A_421 : vector<16xf32>
      %swap3A = arith.constant 2 : i32
      %swap3A_423 = arith.index_cast %swap3A : i32 to index
      %swap3A_424 = arith.index_cast %scan3A_410 : i32 to index
      %swap3A_425 = arith.constant 0 : index
      %swap3A_426 = tpu.vector_load %arg8[%swap3A_423, %swap3A_424, %swap3A_425] {strides = array<i32>} : memref<4x128x128xf32, #tpu.memory_space<vmem>>, vector<1x1x16xf32>,
      %swap3A_427 = vector.shape_cast %swap3A_426 : vector<1x1x16xf32> to vector<16xf32>
      %swap3A_428 = vector.shape_cast %mul3A_422 : vector<16xf32> to vector<1x1x16xf32>
      tpu.vector_store %arg8[%swap3A_423, %swap3A_424, %swap3A_425], %swap3A_428 {strides = array<i32>} : memref<4x128x128xf32, #tpu.memory_space<vmem>>, vector<1x1x16xf32>,
      %get3A_429 = arith.constant 2 : i32
      %get3A_430 = arith.index_cast %get3A_429 : i32 to index
      %get3A_431 = arith.index_cast %scan3A_410 : i32 to index
      %get3A_432 = arith.constant 16 : index
      %get3A_433 = tpu.vector_load %arg8[%get3A_430, %get3A_431, %get3A_432] {strides = array<i32>} : memref<4x128x128xf32, #tpu.memory_space<vmem>>, vector<1x1x16xf32>,
      %get3A_434 = vector.shape_cast %get3A_433 : vector<1x1x16xf32> to vector<16xf32>
      %get3A_435 = arith.constant 2 : i32
      %get3A_436 = arith.index_cast %get3A_435 : i32 to index
      %get3A_437 = arith.index_cast %scan3A_410 : i32 to index
      %get3A_438 = arith.constant 16 : index
      %get3A_439 = tpu.vector_load %arg9[%get3A_436, %get3A_437, %get3A_438] {strides = array<i32>} : memref<3x128x128xf32, #tpu.memory_space<vmem>>, vector<1x1x16xf32>,
      %get3A_440 = vector.shape_cast %get3A_439 : vector<1x1x16xf32> to vector<16xf32>
      %mul3A_441 = arith.mulf %get3A_434, %get3A_440 : vector<16xf32>
      %swap3A_442 = arith.constant 2 : i32
      %swap3A_443 = arith.index_cast %swap3A_442 : i32 to index
      %swap3A_444 = arith.index_cast %scan3A_410 : i32 to index
      %swap3A_445 = arith.constant 16 : index
      %swap3A_446 = tpu.vector_load %arg8[%swap3A_443, %swap3A_444, %swap3A_445] {strides = array<i32>} : memref<4x128x128xf32, #tpu.memory_space<vmem>>, vector<1x1x16xf32>,
      %swap3A_447 = vector.shape_cast %swap3A_446 : vector<1x1x16xf32> to vector<16xf32>
      %swap3A_448 = vector.shape_cast %mul3A_441 : vector<16xf32> to vector<1x1x16xf32>
      tpu.vector_store %arg8[%swap3A_443, %swap3A_444, %swap3A_445], %swap3A_448 {strides = array<i32>} : memref<4x128x128xf32, #tpu.memory_space<vmem>>, vector<1x1x16xf32>,
      %get3A_449 = arith.constant 2 : i32
      %get3A_450 = arith.index_cast %get3A_449 : i32 to index
      %get3A_451 = arith.index_cast %scan3A_410 : i32 to index
      %get3A_452 = arith.constant 32 : index
      %get3A_453 = tpu.vector_load %arg8[%get3A_450, %get3A_451, %get3A_452] {strides = array<i32>} : memref<4x128x128xf32, #tpu.memory_space<vmem>>, vector<1x1x16xf32>,
      %get3A_454 = vector.shape_cast %get3A_453 : vector<1x1x16xf32> to vector<16xf32>
      %get3A_455 = arith.constant 2 : i32
      %get3A_456 = arith.index_cast %get3A_455 : i32 to index
      %get3A_457 = arith.index_cast %scan3A_410 : i32 to index
      %get3A_458 = arith.constant 32 : index
      %get3A_459 = tpu.vector_load %arg9[%get3A_456, %get3A_457, %get3A_458] {strides = array<i32>} : memref<3x128x128xf32, #tpu.memory_space<vmem>>, vector<1x1x16xf32>,
      %get3A_460 = vector.shape_cast %get3A_459 : vector<1x1x16xf32> to vector<16xf32>
      %mul3A_461 = arith.mulf %get3A_454, %get3A_460 : vector<16xf32>
      %swap3A_462 = arith.constant 2 : i32
      %swap3A_463 = arith.index_cast %swap3A_462 : i32 to index
      %swap3A_464 = arith.index_cast %scan3A_410 : i32 to index
      %swap3A_465 = arith.constant 32 : index
      %swap3A_466 = tpu.vector_load %arg8[%swap3A_463, %swap3A_464, %swap3A_465] {strides = array<i32>} : memref<4x128x128xf32, #tpu.memory_space<vmem>>, vector<1x1x16xf32>,
      %swap3A_467 = vector.shape_cast %swap3A_466 : vector<1x1x16xf32> to vector<16xf32>
      %swap3A_468 = vector.shape_cast %mul3A_461 : vector<16xf32> to vector<1x1x16xf32>
      tpu.vector_store %arg8[%swap3A_463, %swap3A_464, %swap3A_465], %swap3A_468 {strides = array<i32>} : memref<4x128x128xf32, #tpu.memory_space<vmem>>, vector<1x1x16xf32>,
      %get3A_469 = arith.constant 2 : i32
      %get3A_470 = arith.index_cast %get3A_469 : i32 to index
      %get3A_471 = arith.index_cast %scan3A_410 : i32 to index
      %get3A_472 = arith.constant 48 : index
      %get3A_473 = tpu.vector_load %arg8[%get3A_470, %get3A_471, %get3A_472] {strides = array<i32>} : memref<4x128x128xf32, #tpu.memory_space<vmem>>, vector<1x1x16xf32>,
      %get3A_474 = vector.shape_cast %get3A_473 : vector<1x1x16xf32> to vector<16xf32>
      %get3A_475 = arith.constant 2 : i32
      %get3A_476 = arith.index_cast %get3A_475 : i32 to index
      %get3A_477 = arith.index_cast %scan3A_410 : i32 to index
      %get3A_478 = arith.constant 48 : index
      %get3A_479 = tpu.vector_load %arg9[%get3A_476, %get3A_477, %get3A_478] {strides = array<i32>} : memref<3x128x128xf32, #tpu.memory_space<vmem>>, vector<1x1x16xf32>,
      %get3A_480 = vector.shape_cast %get3A_479 : vector<1x1x16xf32> to vector<16xf32>
      %mul3A_481 = arith.mulf %get3A_474, %get3A_480 : vector<16xf32>
      %swap3A_482 = arith.constant 2 : i32
      %swap3A_483 = arith.index_cast %swap3A_482 : i32 to index
      %swap3A_484 = arith.index_cast %scan3A_410 : i32 to index
      %swap3A_485 = arith.constant 48 : index
      %swap3A_486 = tpu.vector_load %arg8[%swap3A_483, %swap3A_484, %swap3A_485] {strides = array<i32>} : memref<4x128x128xf32, #tpu.memory_space<vmem>>, vector<1x1x16xf32>,
      %swap3A_487 = vector.shape_cast %swap3A_486 : vector<1x1x16xf32> to vector<16xf32>
      %swap3A_488 = vector.shape_cast %mul3A_481 : vector<16xf32> to vector<1x1x16xf32>
      tpu.vector_store %arg8[%swap3A_483, %swap3A_484, %swap3A_485], %swap3A_488 {strides = array<i32>} : memref<4x128x128xf32, #tpu.memory_space<vmem>>, vector<1x1x16xf32>,
      %get3A_489 = arith.constant 2 : i32
      %get3A_490 = arith.index_cast %get3A_489 : i32 to index
      %get3A_491 = arith.index_cast %scan3A_410 : i32 to index
      %get3A_492 = arith.constant 64 : index
      %get3A_493 = tpu.vector_load %arg8[%get3A_490, %get3A_491, %get3A_492] {strides = array<i32>} : memref<4x128x128xf32, #tpu.memory_space<vmem>>, vector<1x1x16xf32>,
      %get3A_494 = vector.shape_cast %get3A_493 : vector<1x1x16xf32> to vector<16xf32>
      %get3A_495 = arith.constant 2 : i32
      %get3A_496 = arith.index_cast %get3A_495 : i32 to index
      %get3A_497 = arith.index_cast %scan3A_410 : i32 to index
      %get3A_498 = arith.constant 64 : index
      %get3A_499 = tpu.vector_load %arg9[%get3A_496, %get3A_497, %get3A_498] {strides = array<i32>} : memref<3x128x128xf32, #tpu.memory_space<vmem>>, vector<1x1x16xf32>,
      %get3A_500 = vector.shape_cast %get3A_499 : vector<1x1x16xf32> to vector<16xf32>
      %mul3A_501 = arith.mulf %get3A_494, %get3A_500 : vector<16xf32>
      %swap3A_502 = arith.constant 2 : i32
      %swap3A_503 = arith.index_cast %swap3A_502 : i32 to index
      %swap3A_504 = arith.index_cast %scan3A_410 : i32 to index
      %swap3A_505 = arith.constant 64 : index
      %swap3A_506 = tpu.vector_load %arg8[%swap3A_503, %swap3A_504, %swap3A_505] {strides = array<i32>} : memref<4x128x128xf32, #tpu.memory_space<vmem>>, vector<1x1x16xf32>,
      %swap3A_507 = vector.shape_cast %swap3A_506 : vector<1x1x16xf32> to vector<16xf32>
      %swap3A_508 = vector.shape_cast %mul3A_501 : vector<16xf32> to vector<1x1x16xf32>
      tpu.vector_store %arg8[%swap3A_503, %swap3A_504, %swap3A_505], %swap3A_508 {strides = array<i32>} : memref<4x128x128xf32, #tpu.memory_space<vmem>>, vector<1x1x16xf32>,
      %get3A_509 = arith.constant 2 : i32
      %get3A_510 = arith.index_cast %get3A_509 : i32 to index
      %get3A_511 = arith.index_cast %scan3A_410 : i32 to index
      %get3A_512 = arith.constant 80 : index
      %get3A_513 = tpu.vector_load %arg8[%get3A_510, %get3A_511, %get3A_512] {strides = array<i32>} : memref<4x128x128xf32, #tpu.memory_space<vmem>>, vector<1x1x16xf32>,
      %get3A_514 = vector.shape_cast %get3A_513 : vector<1x1x16xf32> to vector<16xf32>
      %get3A_515 = arith.constant 2 : i32
      %get3A_516 = arith.index_cast %get3A_515 : i32 to index
      %get3A_517 = arith.index_cast %scan3A_410 : i32 to index
      %get3A_518 = arith.constant 80 : index
      %get3A_519 = tpu.vector_load %arg9[%get3A_516, %get3A_517, %get3A_518] {strides = array<i32>} : memref<3x128x128xf32, #tpu.memory_space<vmem>>, vector<1x1x16xf32>,
      %get3A_520 = vector.shape_cast %get3A_519 : vector<1x1x16xf32> to vector<16xf32>
      %mul3A_521 = arith.mulf %get3A_514, %get3A_520 : vector<16xf32>
      %swap3A_522 = arith.constant 2 : i32
      %swap3A_523 = arith.index_cast %swap3A_522 : i32 to index
      %swap3A_524 = arith.index_cast %scan3A_410 : i32 to index
      %swap3A_525 = arith.constant 80 : index
      %swap3A_526 = tpu.vector_load %arg8[%swap3A_523, %swap3A_524, %swap3A_525] {strides = array<i32>} : memref<4x128x128xf32, #tpu.memory_space<vmem>>, vector<1x1x16xf32>,
      %swap3A_527 = vector.shape_cast %swap3A_526 : vector<1x1x16xf32> to vector<16xf32>
      %swap3A_528 = vector.shape_cast %mul3A_521 : vector<16xf32> to vector<1x1x16xf32>
      tpu.vector_store %arg8[%swap3A_523, %swap3A_524, %swap3A_525], %swap3A_528 {strides = array<i32>} : memref<4x128x128xf32, #tpu.memory_space<vmem>>, vector<1x1x16xf32>,
      %get3A_529 = arith.constant 2 : i32
      %get3A_530 = arith.index_cast %get3A_529 : i32 to index
      %get3A_531 = arith.index_cast %scan3A_410 : i32 to index
      %get3A_532 = arith.constant 96 : index
      %get3A_533 = tpu.vector_load %arg8[%get3A_530, %get3A_531, %get3A_532] {strides = array<i32>} : memref<4x128x128xf32, #tpu.memory_space<vmem>>, vector<1x1x16xf32>,
      %get3A_534 = vector.shape_cast %get3A_533 : vector<1x1x16xf32> to vector<16xf32>
      %get3A_535 = arith.constant 2 : i32
      %get3A_536 = arith.index_cast %get3A_535 : i32 to index
      %get3A_537 = arith.index_cast %scan3A_410 : i32 to index
      %get3A_538 = arith.constant 96 : index
      %get3A_539 = tpu.vector_load %arg9[%get3A_536, %get3A_537, %get3A_538] {strides = array<i32>} : memref<3x128x128xf32, #tpu.memory_space<vmem>>, vector<1x1x16xf32>,
      %get3A_540 = vector.shape_cast %get3A_539 : vector<1x1x16xf32> to vector<16xf32>
      %mul3A_541 = arith.mulf %get3A_534, %get3A_540 : vector<16xf32>
      %swap3A_542 = arith.constant 2 : i32
      %swap3A_543 = arith.index_cast %swap3A_542 : i32 to index
      %swap3A_544 = arith.index_cast %scan3A_410 : i32 to index
      %swap3A_545 = arith.constant 96 : index
      %swap3A_546 = tpu.vector_load %arg8[%swap3A_543, %swap3A_544, %swap3A_545] {strides = array<i32>} : memref<4x128x128xf32, #tpu.memory_space<vmem>>, vector<1x1x16xf32>,
      %swap3A_547 = vector.shape_cast %swap3A_546 : vector<1x1x16xf32> to vector<16xf32>
      %swap3A_548 = vector.shape_cast %mul3A_541 : vector<16xf32> to vector<1x1x16xf32>
      tpu.vector_store %arg8[%swap3A_543, %swap3A_544, %swap3A_545], %swap3A_548 {strides = array<i32>} : memref<4x128x128xf32, #tpu.memory_space<vmem>>, vector<1x1x16xf32>,
      %get3A_549 = arith.constant 2 : i32
      %get3A_550 = arith.index_cast %get3A_549 : i32 to index
      %get3A_551 = arith.index_cast %scan3A_410 : i32 to index
      %get3A_552 = arith.constant 112 : index
      %get3A_553 = tpu.vector_load %arg8[%get3A_550, %get3A_551, %get3A_552] {strides = array<i32>} : memref<4x128x128xf32, #tpu.memory_space<vmem>>, vector<1x1x16xf32>,
      %get3A_554 = vector.shape_cast %get3A_553 : vector<1x1x16xf32> to vector<16xf32>
      %get3A_555 = arith.constant 2 : i32
      %get3A_556 = arith.index_cast %get3A_555 : i32 to index
      %get3A_557 = arith.index_cast %scan3A_410 : i32 to index
      %get3A_558 = arith.constant 112 : index
      %get3A_559 = tpu.vector_load %arg9[%get3A_556, %get3A_557, %get3A_558] {strides = array<i32>} : memref<3x128x128xf32, #tpu.memory_space<vmem>>, vector<1x1x16xf32>,
      %get3A_560 = vector.shape_cast %get3A_559 : vector<1x1x16xf32> to vector<16xf32>
      %mul3A_561 = arith.mulf %get3A_554, %get3A_560 : vector<16xf32>
      %swap3A_562 = arith.constant 2 : i32
      %swap3A_563 = arith.index_cast %swap3A_562 : i32 to index
      %swap3A_564 = arith.index_cast %scan3A_410 : i32 to index
      %swap3A_565 = arith.constant 112 : index
      %swap3A_566 = tpu.vector_load %arg8[%swap3A_563, %swap3A_564, %swap3A_565] {strides = array<i32>} : memref<4x128x128xf32, #tpu.memory_space<vmem>>, vector<1x1x16xf32>,
      %swap3A_567 = vector.shape_cast %swap3A_566 : vector<1x1x16xf32> to vector<16xf32>
      %swap3A_568 = vector.shape_cast %mul3A_561 : vector<16xf32> to vector<1x1x16xf32>
      tpu.vector_store %arg8[%swap3A_563, %swap3A_564, %swap3A_565], %swap3A_568 {strides = array<i32>} : memref<4x128x128xf32, #tpu.memory_space<vmem>>, vector<1x1x16xf32>,
    }
    %scan3A_233 = arith.constant 128 : i32
    %dma_start3A_234 = arith.constant 2 : i32
    %dma_start3A_235 = arith.constant 0 : i32
    %dma_start3A_236 = arith.constant 0 : i32
    %dma_start3A_237 = tpu.memref_slice %arg8[%dma_start3A_234, %dma_start3A_235, %dma_start3A_236] : memref<4x128x128xf32, #tpu.memory_space<vmem>> -> memref<1x128x128xf32, #tpu.memory_space<vmem>>
    %dma_start3A_238 = tpu.memref_squeeze %dma_start3A_237 : memref<1x128x128xf32, #tpu.memory_space<vmem>> -> memref<128x128xf32, #tpu.memory_space<vmem>>
    %dma_start3A_239 = arith.constant 256 : i32
    %dma_start3A_240 = tpu.memref_slice %arg7[%dma_start3A_239] : memref<512xi32, #tpu.memory_space<vmem>> -> memref<128xi32, #tpu.memory_space<vmem>>
    %dma_start3A_241 = arith.constant 0 : i32
    %dma_start3A_242 = arith.constant 0 : i32
    %dma_start3A_243 = tpu.memref_slice %arg5[%dma_start3A_241, %dma_start3A_242] : memref<100000x128xf32, #tpu.memory_space<hbm>> -> memref<100000x128xf32, #tpu.memory_space<hbm>>
    tpu.enqueue_indirect_dma source(%dma_start3A_243 : memref<100000x128xf32, #tpu.memory_space<hbm>>) target(%dma_start3A_238 : memref<128x128xf32, #tpu.memory_space<vmem>>) offsets(%dma_start3A_240 : memref<128xi32, #tpu.memory_space<vmem>>) semaphore(%arg11 : memref<!tpu.dma_semaphore, #tpu.memory_space<semaphore_mem>>) {add = true}
    %dma_wait3A_244 = arith.constant 1 : i32
    %dma_wait3A_245 = arith.constant 0 : i32
    %dma_wait3A_246 = arith.constant 0 : i32
    %dma_wait3A_247 = tpu.memref_slice %arg8[%dma_wait3A_244, %dma_wait3A_245, %dma_wait3A_246] : memref<4x128x128xf32, #tpu.memory_space<vmem>> -> memref<1x128x128xf32, #tpu.memory_space<vmem>>
    %dma_wait3A_248 = tpu.memref_squeeze %dma_wait3A_247 : memref<1x128x128xf32, #tpu.memory_space<vmem>> -> memref<128x128xf32, #tpu.memory_space<vmem>>
    %dma_wait3A_249 = arith.constant 128 : i32
    %dma_wait3A_250 = tpu.memref_slice %arg7[%dma_wait3A_249] : memref<512xi32, #tpu.memory_space<vmem>> -> memref<128xi32, #tpu.memory_space<vmem>>
    %dma_wait3A_251 = arith.constant 0 : i32
    %dma_wait3A_252 = arith.constant 0 : i32
    %dma_wait3A_253 = tpu.memref_slice %arg5[%dma_wait3A_251, %dma_wait3A_252] : memref<100000x128xf32, #tpu.memory_space<hbm>> -> memref<100000x128xf32, #tpu.memory_space<hbm>>
    tpu.wait_indirect_dma semaphore(%arg11 : memref<!tpu.dma_semaphore, #tpu.memory_space<semaphore_mem>>) src(%dma_wait3A_253 : memref<100000x128xf32, #tpu.memory_space<hbm>>) dst(%dma_wait3A_248 : memref<128x128xf32, #tpu.memory_space<vmem>>)
    %add3A_254 = arith.constant 128 : i32
    %add3A_255 = arith.addi %mul3A_2, %add3A_254 : i32
    %dma_start3A_256 = arith.constant 1 : i32
    %dma_start3A_257 = arith.constant 0 : i32
    %dma_start3A_258 = arith.constant 0 : i32
    %dma_start3A_259 = tpu.memref_slice %arg8[%dma_start3A_256, %dma_start3A_257, %dma_start3A_258] : memref<4x128x128xf32, #tpu.memory_space<vmem>> -> memref<1x128x128xf32, #tpu.memory_space<vmem>>
    %dma_start3A_260 = tpu.memref_squeeze %dma_start3A_259 : memref<1x128x128xf32, #tpu.memory_space<vmem>> -> memref<128x128xf32, #tpu.memory_space<vmem>>
    %dma_start3A_261 = arith.constant 0 : i32
    %dma_start3A_262 = tpu.memref_slice %arg6[%add3A_255, %dma_start3A_261] : memref<16384x128xf32, #tpu.memory_space<hbm>> -> memref<128x128xf32, #tpu.memory_space<hbm>>
    %dma_start3A_263 = arith.constant 0 : i32
    %dma_start3A_264 = tpu.memref_slice %arg6[%add3A_255, %dma_start3A_263] : memref<16384x128xf32, #tpu.memory_space<hbm>> -> memref<128x128xf32, #tpu.memory_space<hbm>>
    %dma_start3A_265 = arith.constant 0 : i32
    %dma_start3A_266 = arith.constant 0 : i32
    %dma_start3A_267 = tpu.memref_slice %arg8[%dma_start3A_256, %dma_start3A_265, %dma_start3A_266] : memref<4x128x128xf32, #tpu.memory_space<vmem>> -> memref<1x128x128xf32, #tpu.memory_space<vmem>>
    %dma_start3A_268 = tpu.memref_squeeze %dma_start3A_267 : memref<1x128x128xf32, #tpu.memory_space<vmem>> -> memref<128x128xf32, #tpu.memory_space<vmem>>
    tpu.enqueue_dma source(%dma_start3A_268 : memref<128x128xf32, #tpu.memory_space<vmem>>) target(%dma_start3A_264 : memref<128x128xf32, #tpu.memory_space<hbm>>) target_semaphore(%arg13 : memref<!tpu.dma_semaphore, #tpu.memory_space<semaphore_mem>>)
    %dma_wait3A_269 = arith.constant 3 : i32
    %dma_wait3A_270 = arith.constant 0 : i32
    %dma_wait3A_271 = arith.constant 0 : i32
    %dma_wait3A_272 = tpu.memref_slice %arg8[%dma_wait3A_269, %dma_wait3A_270, %dma_wait3A_271] : memref<4x128x128xf32, #tpu.memory_space<vmem>> -> memref<1x128x128xf32, #tpu.memory_space<vmem>>
    %dma_wait3A_273 = tpu.memref_squeeze %dma_wait3A_272 : memref<1x128x128xf32, #tpu.memory_space<vmem>> -> memref<128x128xf32, #tpu.memory_space<vmem>>
    %dma_wait3A_274 = arith.constant 384 : i32
    %dma_wait3A_275 = tpu.memref_slice %arg7[%dma_wait3A_274] : memref<512xi32, #tpu.memory_space<vmem>> -> memref<128xi32, #tpu.memory_space<vmem>>
    %dma_wait3A_276 = arith.constant 0 : i32
    %dma_wait3A_277 = arith.constant 0 : i32
    %dma_wait3A_278 = tpu.memref_slice %arg4[%dma_wait3A_276, %dma_wait3A_277] : memref<100000x128xf32, #tpu.memory_space<hbm>> -> memref<100000x128xf32, #tpu.memory_space<hbm>>
    tpu.wait_indirect_dma semaphore(%arg10 : memref<!tpu.dma_semaphore, #tpu.memory_space<semaphore_mem>>) src(%dma_wait3A_278 : memref<100000x128xf32, #tpu.memory_space<hbm>>) dst(%dma_wait3A_273 : memref<128x128xf32, #tpu.memory_space<vmem>>)
    %dma_wait3A_279 = arith.constant 0 : i32
    %dma_wait3A_280 = arith.constant 0 : i32
    %dma_wait3A_281 = arith.constant 0 : i32
    %dma_wait3A_282 = tpu.memref_slice %arg9[%dma_wait3A_279, %dma_wait3A_280, %dma_wait3A_281] : memref<3x128x128xf32, #tpu.memory_space<vmem>> -> memref<1x128x128xf32, #tpu.memory_space<vmem>>
    %dma_wait3A_283 = tpu.memref_squeeze %dma_wait3A_282 : memref<1x128x128xf32, #tpu.memory_space<vmem>> -> memref<128x128xf32, #tpu.memory_space<vmem>>
    %dma_wait3A_284 = arith.constant 0 : i32
    %dma_wait3A_285 = tpu.memref_slice %arg2[%add3A_150, %dma_wait3A_284] : memref<16384x128xf32, #tpu.memory_space<hbm>> -> memref<128x128xf32, #tpu.memory_space<hbm>>
    %dma_wait3A_286 = arith.constant 0 : i32
    %dma_wait3A_287 = arith.constant 0 : i32
    %dma_wait3A_288 = tpu.memref_slice %arg9[%dma_wait3A_279, %dma_wait3A_286, %dma_wait3A_287] : memref<3x128x128xf32, #tpu.memory_space<vmem>> -> memref<1x128x128xf32, #tpu.memory_space<vmem>>
    %dma_wait3A_289 = tpu.memref_squeeze %dma_wait3A_288 : memref<1x128x128xf32, #tpu.memory_space<vmem>> -> memref<128x128xf32, #tpu.memory_space<vmem>>
    %dma_wait3A_290 = arith.constant 0 : i32
    %dma_wait3A_291 = tpu.memref_slice %arg2[%add3A_150, %dma_wait3A_290] : memref<16384x128xf32, #tpu.memory_space<hbm>> -> memref<128x128xf32, #tpu.memory_space<hbm>>
    tpu.wait_dma2 semaphore(%arg12 : memref<!tpu.dma_semaphore, #tpu.memory_space<semaphore_mem>>) src(%dma_wait3A_291 : memref<128x128xf32, #tpu.memory_space<hbm>>) dst(%dma_wait3A_289 : memref<128x128xf32, #tpu.memory_space<vmem>>)
    %scan3A_292 = arith.constant 0 : i32
    %scan3A_293 = arith.constant 0 : i32
    %scan3A_294 = arith.constant 128 : i32
    %scan3A_295 = arith.addi %scan3A_293, %scan3A_294 : i32
    %scan3A_296 = arith.constant 1 : i32
    scf.for %scan3A_410 = %scan3A_293 to %scan3A_295 step %scan3A_296  : i32 {
      %get3A = arith.constant 3 : i32
      %get3A_411 = arith.index_cast %get3A : i32 to index
      %get3A_412 = arith.index_cast %scan3A_410 : i32 to index
      %get3A_413 = arith.constant 0 : index
      %get3A_414 = tpu.vector_load %arg8[%get3A_411, %get3A_412, %get3A_413] {strides = array<i32>} : memref<4x128x128xf32, #tpu.memory_space<vmem>>, vector<1x1x16xf32>,
      %get3A_415 = vector.shape_cast %get3A_414 : vector<1x1x16xf32> to vector<16xf32>
      %get3A_416 = arith.constant 0 : i32
      %get3A_417 = arith.index_cast %get3A_416 : i32 to index
      %get3A_418 = arith.index_cast %scan3A_410 : i32 to index
      %get3A_419 = arith.constant 0 : index
      %get3A_420 = tpu.vector_load %arg9[%get3A_417, %get3A_418, %get3A_419] {strides = array<i32>} : memref<3x128x128xf32, #tpu.memory_space<vmem>>, vector<1x1x16xf32>,
      %get3A_421 = vector.shape_cast %get3A_420 : vector<1x1x16xf32> to vector<16xf32>
      %mul3A_422 = arith.mulf %get3A_415, %get3A_421 : vector<16xf32>
      %swap3A = arith.constant 3 : i32
      %swap3A_423 = arith.index_cast %swap3A : i32 to index
      %swap3A_424 = arith.index_cast %scan3A_410 : i32 to index
      %swap3A_425 = arith.constant 0 : index
      %swap3A_426 = tpu.vector_load %arg8[%swap3A_423, %swap3A_424, %swap3A_425] {strides = array<i32>} : memref<4x128x128xf32, #tpu.memory_space<vmem>>, vector<1x1x16xf32>,
      %swap3A_427 = vector.shape_cast %swap3A_426 : vector<1x1x16xf32> to vector<16xf32>
      %swap3A_428 = vector.shape_cast %mul3A_422 : vector<16xf32> to vector<1x1x16xf32>
      tpu.vector_store %arg8[%swap3A_423, %swap3A_424, %swap3A_425], %swap3A_428 {strides = array<i32>} : memref<4x128x128xf32, #tpu.memory_space<vmem>>, vector<1x1x16xf32>,
      %get3A_429 = arith.constant 3 : i32
      %get3A_430 = arith.index_cast %get3A_429 : i32 to index
      %get3A_431 = arith.index_cast %scan3A_410 : i32 to index
      %get3A_432 = arith.constant 16 : index
      %get3A_433 = tpu.vector_load %arg8[%get3A_430, %get3A_431, %get3A_432] {strides = array<i32>} : memref<4x128x128xf32, #tpu.memory_space<vmem>>, vector<1x1x16xf32>,
      %get3A_434 = vector.shape_cast %get3A_433 : vector<1x1x16xf32> to vector<16xf32>
      %get3A_435 = arith.constant 0 : i32
      %get3A_436 = arith.index_cast %get3A_435 : i32 to index
      %get3A_437 = arith.index_cast %scan3A_410 : i32 to index
      %get3A_438 = arith.constant 16 : index
      %get3A_439 = tpu.vector_load %arg9[%get3A_436, %get3A_437, %get3A_438] {strides = array<i32>} : memref<3x128x128xf32, #tpu.memory_space<vmem>>, vector<1x1x16xf32>,
      %get3A_440 = vector.shape_cast %get3A_439 : vector<1x1x16xf32> to vector<16xf32>
      %mul3A_441 = arith.mulf %get3A_434, %get3A_440 : vector<16xf32>
      %swap3A_442 = arith.constant 3 : i32
      %swap3A_443 = arith.index_cast %swap3A_442 : i32 to index
      %swap3A_444 = arith.index_cast %scan3A_410 : i32 to index
      %swap3A_445 = arith.constant 16 : index
      %swap3A_446 = tpu.vector_load %arg8[%swap3A_443, %swap3A_444, %swap3A_445] {strides = array<i32>} : memref<4x128x128xf32, #tpu.memory_space<vmem>>, vector<1x1x16xf32>,
      %swap3A_447 = vector.shape_cast %swap3A_446 : vector<1x1x16xf32> to vector<16xf32>
      %swap3A_448 = vector.shape_cast %mul3A_441 : vector<16xf32> to vector<1x1x16xf32>
      tpu.vector_store %arg8[%swap3A_443, %swap3A_444, %swap3A_445], %swap3A_448 {strides = array<i32>} : memref<4x128x128xf32, #tpu.memory_space<vmem>>, vector<1x1x16xf32>,
      %get3A_449 = arith.constant 3 : i32
      %get3A_450 = arith.index_cast %get3A_449 : i32 to index
      %get3A_451 = arith.index_cast %scan3A_410 : i32 to index
      %get3A_452 = arith.constant 32 : index
      %get3A_453 = tpu.vector_load %arg8[%get3A_450, %get3A_451, %get3A_452] {strides = array<i32>} : memref<4x128x128xf32, #tpu.memory_space<vmem>>, vector<1x1x16xf32>,
      %get3A_454 = vector.shape_cast %get3A_453 : vector<1x1x16xf32> to vector<16xf32>
      %get3A_455 = arith.constant 0 : i32
      %get3A_456 = arith.index_cast %get3A_455 : i32 to index
      %get3A_457 = arith.index_cast %scan3A_410 : i32 to index
      %get3A_458 = arith.constant 32 : index
      %get3A_459 = tpu.vector_load %arg9[%get3A_456, %get3A_457, %get3A_458] {strides = array<i32>} : memref<3x128x128xf32, #tpu.memory_space<vmem>>, vector<1x1x16xf32>,
      %get3A_460 = vector.shape_cast %get3A_459 : vector<1x1x16xf32> to vector<16xf32>
      %mul3A_461 = arith.mulf %get3A_454, %get3A_460 : vector<16xf32>
      %swap3A_462 = arith.constant 3 : i32
      %swap3A_463 = arith.index_cast %swap3A_462 : i32 to index
      %swap3A_464 = arith.index_cast %scan3A_410 : i32 to index
      %swap3A_465 = arith.constant 32 : index
      %swap3A_466 = tpu.vector_load %arg8[%swap3A_463, %swap3A_464, %swap3A_465] {strides = array<i32>} : memref<4x128x128xf32, #tpu.memory_space<vmem>>, vector<1x1x16xf32>,
      %swap3A_467 = vector.shape_cast %swap3A_466 : vector<1x1x16xf32> to vector<16xf32>
      %swap3A_468 = vector.shape_cast %mul3A_461 : vector<16xf32> to vector<1x1x16xf32>
      tpu.vector_store %arg8[%swap3A_463, %swap3A_464, %swap3A_465], %swap3A_468 {strides = array<i32>} : memref<4x128x128xf32, #tpu.memory_space<vmem>>, vector<1x1x16xf32>,
      %get3A_469 = arith.constant 3 : i32
      %get3A_470 = arith.index_cast %get3A_469 : i32 to index
      %get3A_471 = arith.index_cast %scan3A_410 : i32 to index
      %get3A_472 = arith.constant 48 : index
      %get3A_473 = tpu.vector_load %arg8[%get3A_470, %get3A_471, %get3A_472] {strides = array<i32>} : memref<4x128x128xf32, #tpu.memory_space<vmem>>, vector<1x1x16xf32>,
      %get3A_474 = vector.shape_cast %get3A_473 : vector<1x1x16xf32> to vector<16xf32>
      %get3A_475 = arith.constant 0 : i32
      %get3A_476 = arith.index_cast %get3A_475 : i32 to index
      %get3A_477 = arith.index_cast %scan3A_410 : i32 to index
      %get3A_478 = arith.constant 48 : index
      %get3A_479 = tpu.vector_load %arg9[%get3A_476, %get3A_477, %get3A_478] {strides = array<i32>} : memref<3x128x128xf32, #tpu.memory_space<vmem>>, vector<1x1x16xf32>,
      %get3A_480 = vector.shape_cast %get3A_479 : vector<1x1x16xf32> to vector<16xf32>
      %mul3A_481 = arith.mulf %get3A_474, %get3A_480 : vector<16xf32>
      %swap3A_482 = arith.constant 3 : i32
      %swap3A_483 = arith.index_cast %swap3A_482 : i32 to index
      %swap3A_484 = arith.index_cast %scan3A_410 : i32 to index
      %swap3A_485 = arith.constant 48 : index
      %swap3A_486 = tpu.vector_load %arg8[%swap3A_483, %swap3A_484, %swap3A_485] {strides = array<i32>} : memref<4x128x128xf32, #tpu.memory_space<vmem>>, vector<1x1x16xf32>,
      %swap3A_487 = vector.shape_cast %swap3A_486 : vector<1x1x16xf32> to vector<16xf32>
      %swap3A_488 = vector.shape_cast %mul3A_481 : vector<16xf32> to vector<1x1x16xf32>
      tpu.vector_store %arg8[%swap3A_483, %swap3A_484, %swap3A_485], %swap3A_488 {strides = array<i32>} : memref<4x128x128xf32, #tpu.memory_space<vmem>>, vector<1x1x16xf32>,
      %get3A_489 = arith.constant 3 : i32
      %get3A_490 = arith.index_cast %get3A_489 : i32 to index
      %get3A_491 = arith.index_cast %scan3A_410 : i32 to index
      %get3A_492 = arith.constant 64 : index
      %get3A_493 = tpu.vector_load %arg8[%get3A_490, %get3A_491, %get3A_492] {strides = array<i32>} : memref<4x128x128xf32, #tpu.memory_space<vmem>>, vector<1x1x16xf32>,
      %get3A_494 = vector.shape_cast %get3A_493 : vector<1x1x16xf32> to vector<16xf32>
      %get3A_495 = arith.constant 0 : i32
      %get3A_496 = arith.index_cast %get3A_495 : i32 to index
      %get3A_497 = arith.index_cast %scan3A_410 : i32 to index
      %get3A_498 = arith.constant 64 : index
      %get3A_499 = tpu.vector_load %arg9[%get3A_496, %get3A_497, %get3A_498] {strides = array<i32>} : memref<3x128x128xf32, #tpu.memory_space<vmem>>, vector<1x1x16xf32>,
      %get3A_500 = vector.shape_cast %get3A_499 : vector<1x1x16xf32> to vector<16xf32>
      %mul3A_501 = arith.mulf %get3A_494, %get3A_500 : vector<16xf32>
      %swap3A_502 = arith.constant 3 : i32
      %swap3A_503 = arith.index_cast %swap3A_502 : i32 to index
      %swap3A_504 = arith.index_cast %scan3A_410 : i32 to index
      %swap3A_505 = arith.constant 64 : index
      %swap3A_506 = tpu.vector_load %arg8[%swap3A_503, %swap3A_504, %swap3A_505] {strides = array<i32>} : memref<4x128x128xf32, #tpu.memory_space<vmem>>, vector<1x1x16xf32>,
      %swap3A_507 = vector.shape_cast %swap3A_506 : vector<1x1x16xf32> to vector<16xf32>
      %swap3A_508 = vector.shape_cast %mul3A_501 : vector<16xf32> to vector<1x1x16xf32>
      tpu.vector_store %arg8[%swap3A_503, %swap3A_504, %swap3A_505], %swap3A_508 {strides = array<i32>} : memref<4x128x128xf32, #tpu.memory_space<vmem>>, vector<1x1x16xf32>,
      %get3A_509 = arith.constant 3 : i32
      %get3A_510 = arith.index_cast %get3A_509 : i32 to index
      %get3A_511 = arith.index_cast %scan3A_410 : i32 to index
      %get3A_512 = arith.constant 80 : index
      %get3A_513 = tpu.vector_load %arg8[%get3A_510, %get3A_511, %get3A_512] {strides = array<i32>} : memref<4x128x128xf32, #tpu.memory_space<vmem>>, vector<1x1x16xf32>,
      %get3A_514 = vector.shape_cast %get3A_513 : vector<1x1x16xf32> to vector<16xf32>
      %get3A_515 = arith.constant 0 : i32
      %get3A_516 = arith.index_cast %get3A_515 : i32 to index
      %get3A_517 = arith.index_cast %scan3A_410 : i32 to index
      %get3A_518 = arith.constant 80 : index
      %get3A_519 = tpu.vector_load %arg9[%get3A_516, %get3A_517, %get3A_518] {strides = array<i32>} : memref<3x128x128xf32, #tpu.memory_space<vmem>>, vector<1x1x16xf32>,
      %get3A_520 = vector.shape_cast %get3A_519 : vector<1x1x16xf32> to vector<16xf32>
      %mul3A_521 = arith.mulf %get3A_514, %get3A_520 : vector<16xf32>
      %swap3A_522 = arith.constant 3 : i32
      %swap3A_523 = arith.index_cast %swap3A_522 : i32 to index
      %swap3A_524 = arith.index_cast %scan3A_410 : i32 to index
      %swap3A_525 = arith.constant 80 : index
      %swap3A_526 = tpu.vector_load %arg8[%swap3A_523, %swap3A_524, %swap3A_525] {strides = array<i32>} : memref<4x128x128xf32, #tpu.memory_space<vmem>>, vector<1x1x16xf32>,
      %swap3A_527 = vector.shape_cast %swap3A_526 : vector<1x1x16xf32> to vector<16xf32>
      %swap3A_528 = vector.shape_cast %mul3A_521 : vector<16xf32> to vector<1x1x16xf32>
      tpu.vector_store %arg8[%swap3A_523, %swap3A_524, %swap3A_525], %swap3A_528 {strides = array<i32>} : memref<4x128x128xf32, #tpu.memory_space<vmem>>, vector<1x1x16xf32>,
      %get3A_529 = arith.constant 3 : i32
      %get3A_530 = arith.index_cast %get3A_529 : i32 to index
      %get3A_531 = arith.index_cast %scan3A_410 : i32 to index
      %get3A_532 = arith.constant 96 : index
      %get3A_533 = tpu.vector_load %arg8[%get3A_530, %get3A_531, %get3A_532] {strides = array<i32>} : memref<4x128x128xf32, #tpu.memory_space<vmem>>, vector<1x1x16xf32>,
      %get3A_534 = vector.shape_cast %get3A_533 : vector<1x1x16xf32> to vector<16xf32>
      %get3A_535 = arith.constant 0 : i32
      %get3A_536 = arith.index_cast %get3A_535 : i32 to index
      %get3A_537 = arith.index_cast %scan3A_410 : i32 to index
      %get3A_538 = arith.constant 96 : index
      %get3A_539 = tpu.vector_load %arg9[%get3A_536, %get3A_537, %get3A_538] {strides = array<i32>} : memref<3x128x128xf32, #tpu.memory_space<vmem>>, vector<1x1x16xf32>,
      %get3A_540 = vector.shape_cast %get3A_539 : vector<1x1x16xf32> to vector<16xf32>
      %mul3A_541 = arith.mulf %get3A_534, %get3A_540 : vector<16xf32>
      %swap3A_542 = arith.constant 3 : i32
      %swap3A_543 = arith.index_cast %swap3A_542 : i32 to index
      %swap3A_544 = arith.index_cast %scan3A_410 : i32 to index
      %swap3A_545 = arith.constant 96 : index
      %swap3A_546 = tpu.vector_load %arg8[%swap3A_543, %swap3A_544, %swap3A_545] {strides = array<i32>} : memref<4x128x128xf32, #tpu.memory_space<vmem>>, vector<1x1x16xf32>,
      %swap3A_547 = vector.shape_cast %swap3A_546 : vector<1x1x16xf32> to vector<16xf32>
      %swap3A_548 = vector.shape_cast %mul3A_541 : vector<16xf32> to vector<1x1x16xf32>
      tpu.vector_store %arg8[%swap3A_543, %swap3A_544, %swap3A_545], %swap3A_548 {strides = array<i32>} : memref<4x128x128xf32, #tpu.memory_space<vmem>>, vector<1x1x16xf32>,
      %get3A_549 = arith.constant 3 : i32
      %get3A_550 = arith.index_cast %get3A_549 : i32 to index
      %get3A_551 = arith.index_cast %scan3A_410 : i32 to index
      %get3A_552 = arith.constant 112 : index
      %get3A_553 = tpu.vector_load %arg8[%get3A_550, %get3A_551, %get3A_552] {strides = array<i32>} : memref<4x128x128xf32, #tpu.memory_space<vmem>>, vector<1x1x16xf32>,
      %get3A_554 = vector.shape_cast %get3A_553 : vector<1x1x16xf32> to vector<16xf32>
      %get3A_555 = arith.constant 0 : i32
      %get3A_556 = arith.index_cast %get3A_555 : i32 to index
      %get3A_557 = arith.index_cast %scan3A_410 : i32 to index
      %get3A_558 = arith.constant 112 : index
      %get3A_559 = tpu.vector_load %arg9[%get3A_556, %get3A_557, %get3A_558] {strides = array<i32>} : memref<3x128x128xf32, #tpu.memory_space<vmem>>, vector<1x1x16xf32>,
      %get3A_560 = vector.shape_cast %get3A_559 : vector<1x1x16xf32> to vector<16xf32>
      %mul3A_561 = arith.mulf %get3A_554, %get3A_560 : vector<16xf32>
      %swap3A_562 = arith.constant 3 : i32
      %swap3A_563 = arith.index_cast %swap3A_562 : i32 to index
      %swap3A_564 = arith.index_cast %scan3A_410 : i32 to index
      %swap3A_565 = arith.constant 112 : index
      %swap3A_566 = tpu.vector_load %arg8[%swap3A_563, %swap3A_564, %swap3A_565] {strides = array<i32>} : memref<4x128x128xf32, #tpu.memory_space<vmem>>, vector<1x1x16xf32>,
      %swap3A_567 = vector.shape_cast %swap3A_566 : vector<1x1x16xf32> to vector<16xf32>
      %swap3A_568 = vector.shape_cast %mul3A_561 : vector<16xf32> to vector<1x1x16xf32>
      tpu.vector_store %arg8[%swap3A_563, %swap3A_564, %swap3A_565], %swap3A_568 {strides = array<i32>} : memref<4x128x128xf32, #tpu.memory_space<vmem>>, vector<1x1x16xf32>,
    }
    %scan3A_297 = arith.constant 128 : i32
    %dma_start3A_298 = arith.constant 3 : i32
    %dma_start3A_299 = arith.constant 0 : i32
    %dma_start3A_300 = arith.constant 0 : i32
    %dma_start3A_301 = tpu.memref_slice %arg8[%dma_start3A_298, %dma_start3A_299, %dma_start3A_300] : memref<4x128x128xf32, #tpu.memory_space<vmem>> -> memref<1x128x128xf32, #tpu.memory_space<vmem>>
    %dma_start3A_302 = tpu.memref_squeeze %dma_start3A_301 : memref<1x128x128xf32, #tpu.memory_space<vmem>> -> memref<128x128xf32, #tpu.memory_space<vmem>>
    %dma_start3A_303 = arith.constant 384 : i32
    %dma_start3A_304 = tpu.memref_slice %arg7[%dma_start3A_303] : memref<512xi32, #tpu.memory_space<vmem>> -> memref<128xi32, #tpu.memory_space<vmem>>
    %dma_start3A_305 = arith.constant 0 : i32
    %dma_start3A_306 = arith.constant 0 : i32
    %dma_start3A_307 = tpu.memref_slice %arg5[%dma_start3A_305, %dma_start3A_306] : memref<100000x128xf32, #tpu.memory_space<hbm>> -> memref<100000x128xf32, #tpu.memory_space<hbm>>
    tpu.enqueue_indirect_dma source(%dma_start3A_307 : memref<100000x128xf32, #tpu.memory_space<hbm>>) target(%dma_start3A_302 : memref<128x128xf32, #tpu.memory_space<vmem>>) offsets(%dma_start3A_304 : memref<128xi32, #tpu.memory_space<vmem>>) semaphore(%arg11 : memref<!tpu.dma_semaphore, #tpu.memory_space<semaphore_mem>>) {add = true}
    %dma_wait3A_308 = arith.constant 2 : i32
    %dma_wait3A_309 = arith.constant 0 : i32
    %dma_wait3A_310 = arith.constant 0 : i32
    %dma_wait3A_311 = tpu.memref_slice %arg8[%dma_wait3A_308, %dma_wait3A_309, %dma_wait3A_310] : memref<4x128x128xf32, #tpu.memory_space<vmem>> -> memref<1x128x128xf32, #tpu.memory_space<vmem>>
    %dma_wait3A_312 = tpu.memref_squeeze %dma_wait3A_311 : memref<1x128x128xf32, #tpu.memory_space<vmem>> -> memref<128x128xf32, #tpu.memory_space<vmem>>
    %dma_wait3A_313 = arith.constant 256 : i32
    %dma_wait3A_314 = tpu.memref_slice %arg7[%dma_wait3A_313] : memref<512xi32, #tpu.memory_space<vmem>> -> memref<128xi32, #tpu.memory_space<vmem>>
    %dma_wait3A_315 = arith.constant 0 : i32
    %dma_wait3A_316 = arith.constant 0 : i32
    %dma_wait3A_317 = tpu.memref_slice %arg5[%dma_wait3A_315, %dma_wait3A_316] : memref<100000x128xf32, #tpu.memory_space<hbm>> -> memref<100000x128xf32, #tpu.memory_space<hbm>>
    tpu.wait_indirect_dma semaphore(%arg11 : memref<!tpu.dma_semaphore, #tpu.memory_space<semaphore_mem>>) src(%dma_wait3A_317 : memref<100000x128xf32, #tpu.memory_space<hbm>>) dst(%dma_wait3A_312 : memref<128x128xf32, #tpu.memory_space<vmem>>)
    %add3A_318 = arith.constant 256 : i32
    %add3A_319 = arith.addi %mul3A_2, %add3A_318 : i32
    %dma_start3A_320 = arith.constant 2 : i32
    %dma_start3A_321 = arith.constant 0 : i32
    %dma_start3A_322 = arith.constant 0 : i32
    %dma_start3A_323 = tpu.memref_slice %arg8[%dma_start3A_320, %dma_start3A_321, %dma_start3A_322] : memref<4x128x128xf32, #tpu.memory_space<vmem>> -> memref<1x128x128xf32, #tpu.memory_space<vmem>>
    %dma_start3A_324 = tpu.memref_squeeze %dma_start3A_323 : memref<1x128x128xf32, #tpu.memory_space<vmem>> -> memref<128x128xf32, #tpu.memory_space<vmem>>
    %dma_start3A_325 = arith.constant 0 : i32
    %dma_start3A_326 = tpu.memref_slice %arg6[%add3A_319, %dma_start3A_325] : memref<16384x128xf32, #tpu.memory_space<hbm>> -> memref<128x128xf32, #tpu.memory_space<hbm>>
    %dma_start3A_327 = arith.constant 0 : i32
    %dma_start3A_328 = tpu.memref_slice %arg6[%add3A_319, %dma_start3A_327] : memref<16384x128xf32, #tpu.memory_space<hbm>> -> memref<128x128xf32, #tpu.memory_space<hbm>>
    %dma_start3A_329 = arith.constant 0 : i32
    %dma_start3A_330 = arith.constant 0 : i32
    %dma_start3A_331 = tpu.memref_slice %arg8[%dma_start3A_320, %dma_start3A_329, %dma_start3A_330] : memref<4x128x128xf32, #tpu.memory_space<vmem>> -> memref<1x128x128xf32, #tpu.memory_space<vmem>>
    %dma_start3A_332 = tpu.memref_squeeze %dma_start3A_331 : memref<1x128x128xf32, #tpu.memory_space<vmem>> -> memref<128x128xf32, #tpu.memory_space<vmem>>
    tpu.enqueue_dma source(%dma_start3A_332 : memref<128x128xf32, #tpu.memory_space<vmem>>) target(%dma_start3A_328 : memref<128x128xf32, #tpu.memory_space<hbm>>) target_semaphore(%arg13 : memref<!tpu.dma_semaphore, #tpu.memory_space<semaphore_mem>>)
    %dma_wait3A_333 = arith.constant 3 : i32
    %dma_wait3A_334 = arith.constant 0 : i32
    %dma_wait3A_335 = arith.constant 0 : i32
    %dma_wait3A_336 = tpu.memref_slice %arg8[%dma_wait3A_333, %dma_wait3A_334, %dma_wait3A_335] : memref<4x128x128xf32, #tpu.memory_space<vmem>> -> memref<1x128x128xf32, #tpu.memory_space<vmem>>
    %dma_wait3A_337 = tpu.memref_squeeze %dma_wait3A_336 : memref<1x128x128xf32, #tpu.memory_space<vmem>> -> memref<128x128xf32, #tpu.memory_space<vmem>>
    %dma_wait3A_338 = arith.constant 384 : i32
    %dma_wait3A_339 = tpu.memref_slice %arg7[%dma_wait3A_338] : memref<512xi32, #tpu.memory_space<vmem>> -> memref<128xi32, #tpu.memory_space<vmem>>
    %dma_wait3A_340 = arith.constant 0 : i32
    %dma_wait3A_341 = arith.constant 0 : i32
    %dma_wait3A_342 = tpu.memref_slice %arg5[%dma_wait3A_340, %dma_wait3A_341] : memref<100000x128xf32, #tpu.memory_space<hbm>> -> memref<100000x128xf32, #tpu.memory_space<hbm>>
    tpu.wait_indirect_dma semaphore(%arg11 : memref<!tpu.dma_semaphore, #tpu.memory_space<semaphore_mem>>) src(%dma_wait3A_342 : memref<100000x128xf32, #tpu.memory_space<hbm>>) dst(%dma_wait3A_337 : memref<128x128xf32, #tpu.memory_space<vmem>>)
    %add3A_343 = arith.constant 384 : i32
    %add3A_344 = arith.addi %mul3A_2, %add3A_343 : i32
    %dma_start3A_345 = arith.constant 3 : i32
    %dma_start3A_346 = arith.constant 0 : i32
    %dma_start3A_347 = arith.constant 0 : i32
    %dma_start3A_348 = tpu.memref_slice %arg8[%dma_start3A_345, %dma_start3A_346, %dma_start3A_347] : memref<4x128x128xf32, #tpu.memory_space<vmem>> -> memref<1x128x128xf32, #tpu.memory_space<vmem>>
    %dma_start3A_349 = tpu.memref_squeeze %dma_start3A_348 : memref<1x128x128xf32, #tpu.memory_space<vmem>> -> memref<128x128xf32, #tpu.memory_space<vmem>>
    %dma_start3A_350 = arith.constant 0 : i32
    %dma_start3A_351 = tpu.memref_slice %arg6[%add3A_344, %dma_start3A_350] : memref<16384x128xf32, #tpu.memory_space<hbm>> -> memref<128x128xf32, #tpu.memory_space<hbm>>
    %dma_start3A_352 = arith.constant 0 : i32
    %dma_start3A_353 = tpu.memref_slice %arg6[%add3A_344, %dma_start3A_352] : memref<16384x128xf32, #tpu.memory_space<hbm>> -> memref<128x128xf32, #tpu.memory_space<hbm>>
    %dma_start3A_354 = arith.constant 0 : i32
    %dma_start3A_355 = arith.constant 0 : i32
    %dma_start3A_356 = tpu.memref_slice %arg8[%dma_start3A_345, %dma_start3A_354, %dma_start3A_355] : memref<4x128x128xf32, #tpu.memory_space<vmem>> -> memref<1x128x128xf32, #tpu.memory_space<vmem>>
    %dma_start3A_357 = tpu.memref_squeeze %dma_start3A_356 : memref<1x128x128xf32, #tpu.memory_space<vmem>> -> memref<128x128xf32, #tpu.memory_space<vmem>>
    tpu.enqueue_dma source(%dma_start3A_357 : memref<128x128xf32, #tpu.memory_space<vmem>>) target(%dma_start3A_353 : memref<128x128xf32, #tpu.memory_space<hbm>>) target_semaphore(%arg13 : memref<!tpu.dma_semaphore, #tpu.memory_space<semaphore_mem>>)
    %dma_wait3A_358 = arith.constant 0 : i32
    %dma_wait3A_359 = arith.constant 0 : i32
    %dma_wait3A_360 = arith.constant 0 : i32
    %dma_wait3A_361 = tpu.memref_slice %arg8[%dma_wait3A_358, %dma_wait3A_359, %dma_wait3A_360] : memref<4x128x128xf32, #tpu.memory_space<vmem>> -> memref<1x128x128xf32, #tpu.memory_space<vmem>>
    %dma_wait3A_362 = tpu.memref_squeeze %dma_wait3A_361 : memref<1x128x128xf32, #tpu.memory_space<vmem>> -> memref<128x128xf32, #tpu.memory_space<vmem>>
    %dma_wait3A_363 = arith.constant 0 : i32
    %dma_wait3A_364 = tpu.memref_slice %arg6[%add3A_191, %dma_wait3A_363] : memref<16384x128xf32, #tpu.memory_space<hbm>> -> memref<128x128xf32, #tpu.memory_space<hbm>>
    %dma_wait3A_365 = arith.constant 0 : i32
    %dma_wait3A_366 = tpu.memref_slice %arg6[%add3A_191, %dma_wait3A_365] : memref<16384x128xf32, #tpu.memory_space<hbm>> -> memref<128x128xf32, #tpu.memory_space<hbm>>
    %dma_wait3A_367 = arith.constant 0 : i32
    %dma_wait3A_368 = arith.constant 0 : i32
    %dma_wait3A_369 = tpu.memref_slice %arg8[%dma_wait3A_358, %dma_wait3A_367, %dma_wait3A_368] : memref<4x128x128xf32, #tpu.memory_space<vmem>> -> memref<1x128x128xf32, #tpu.memory_space<vmem>>
    %dma_wait3A_370 = tpu.memref_squeeze %dma_wait3A_369 : memref<1x128x128xf32, #tpu.memory_space<vmem>> -> memref<128x128xf32, #tpu.memory_space<vmem>>
    tpu.wait_dma2 semaphore(%arg13 : memref<!tpu.dma_semaphore, #tpu.memory_space<semaphore_mem>>) src(%dma_wait3A_370 : memref<128x128xf32, #tpu.memory_space<vmem>>) dst(%dma_wait3A_366 : memref<128x128xf32, #tpu.memory_space<hbm>>)
    %dma_wait3A_371 = arith.constant 1 : i32
    %dma_wait3A_372 = arith.constant 0 : i32
    %dma_wait3A_373 = arith.constant 0 : i32
    %dma_wait3A_374 = tpu.memref_slice %arg8[%dma_wait3A_371, %dma_wait3A_372, %dma_wait3A_373] : memref<4x128x128xf32, #tpu.memory_space<vmem>> -> memref<1x128x128xf32, #tpu.memory_space<vmem>>
    %dma_wait3A_375 = tpu.memref_squeeze %dma_wait3A_374 : memref<1x128x128xf32, #tpu.memory_space<vmem>> -> memref<128x128xf32, #tpu.memory_space<vmem>>
    %dma_wait3A_376 = arith.constant 0 : i32
    %dma_wait3A_377 = tpu.memref_slice %arg6[%add3A_255, %dma_wait3A_376] : memref<16384x128xf32, #tpu.memory_space<hbm>> -> memref<128x128xf32, #tpu.memory_space<hbm>>
    %dma_wait3A_378 = arith.constant 0 : i32
    %dma_wait3A_379 = tpu.memref_slice %arg6[%add3A_255, %dma_wait3A_378] : memref<16384x128xf32, #tpu.memory_space<hbm>> -> memref<128x128xf32, #tpu.memory_space<hbm>>
    %dma_wait3A_380 = arith.constant 0 : i32
    %dma_wait3A_381 = arith.constant 0 : i32
    %dma_wait3A_382 = tpu.memref_slice %arg8[%dma_wait3A_371, %dma_wait3A_380, %dma_wait3A_381] : memref<4x128x128xf32, #tpu.memory_space<vmem>> -> memref<1x128x128xf32, #tpu.memory_space<vmem>>
    %dma_wait3A_383 = tpu.memref_squeeze %dma_wait3A_382 : memref<1x128x128xf32, #tpu.memory_space<vmem>> -> memref<128x128xf32, #tpu.memory_space<vmem>>
    tpu.wait_dma2 semaphore(%arg13 : memref<!tpu.dma_semaphore, #tpu.memory_space<semaphore_mem>>) src(%dma_wait3A_383 : memref<128x128xf32, #tpu.memory_space<vmem>>) dst(%dma_wait3A_379 : memref<128x128xf32, #tpu.memory_space<hbm>>)
    %dma_wait3A_384 = arith.constant 2 : i32
    %dma_wait3A_385 = arith.constant 0 : i32
    %dma_wait3A_386 = arith.constant 0 : i32
    %dma_wait3A_387 = tpu.memref_slice %arg8[%dma_wait3A_384, %dma_wait3A_385, %dma_wait3A_386] : memref<4x128x128xf32, #tpu.memory_space<vmem>> -> memref<1x128x128xf32, #tpu.memory_space<vmem>>
    %dma_wait3A_388 = tpu.memref_squeeze %dma_wait3A_387 : memref<1x128x128xf32, #tpu.memory_space<vmem>> -> memref<128x128xf32, #tpu.memory_space<vmem>>
    %dma_wait3A_389 = arith.constant 0 : i32
    %dma_wait3A_390 = tpu.memref_slice %arg6[%add3A_319, %dma_wait3A_389] : memref<16384x128xf32, #tpu.memory_space<hbm>> -> memref<128x128xf32, #tpu.memory_space<hbm>>
    %dma_wait3A_391 = arith.constant 0 : i32
    %dma_wait3A_392 = tpu.memref_slice %arg6[%add3A_319, %dma_wait3A_391] : memref<16384x128xf32, #tpu.memory_space<hbm>> -> memref<128x128xf32, #tpu.memory_space<hbm>>
    %dma_wait3A_393 = arith.constant 0 : i32
    %dma_wait3A_394 = arith.constant 0 : i32
    %dma_wait3A_395 = tpu.memref_slice %arg8[%dma_wait3A_384, %dma_wait3A_393, %dma_wait3A_394] : memref<4x128x128xf32, #tpu.memory_space<vmem>> -> memref<1x128x128xf32, #tpu.memory_space<vmem>>
    %dma_wait3A_396 = tpu.memref_squeeze %dma_wait3A_395 : memref<1x128x128xf32, #tpu.memory_space<vmem>> -> memref<128x128xf32, #tpu.memory_space<vmem>>
    tpu.wait_dma2 semaphore(%arg13 : memref<!tpu.dma_semaphore, #tpu.memory_space<semaphore_mem>>) src(%dma_wait3A_396 : memref<128x128xf32, #tpu.memory_space<vmem>>) dst(%dma_wait3A_392 : memref<128x128xf32, #tpu.memory_space<hbm>>)
    %dma_wait3A_397 = arith.constant 3 : i32
    %dma_wait3A_398 = arith.constant 0 : i32
    %dma_wait3A_399 = arith.constant 0 : i32
    %dma_wait3A_400 = tpu.memref_slice %arg8[%dma_wait3A_397, %dma_wait3A_398, %dma_wait3A_399] : memref<4x128x128xf32, #tpu.memory_space<vmem>> -> memref<1x128x128xf32, #tpu.memory_space<vmem>>
    %dma_wait3A_401 = tpu.memref_squeeze %dma_wait3A_400 : memref<1x128x128xf32, #tpu.memory_space<vmem>> -> memref<128x128xf32, #tpu.memory_space<vmem>>
    %dma_wait3A_402 = arith.constant 0 : i32
    %dma_wait3A_403 = tpu.memref_slice %arg6[%add3A_344, %dma_wait3A_402] : memref<16384x128xf32, #tpu.memory_space<hbm>> -> memref<128x128xf32, #tpu.memory_space<hbm>>
    %dma_wait3A_404 = arith.constant 0 : i32
    %dma_wait3A_405 = tpu.memref_slice %arg6[%add3A_344, %dma_wait3A_404] : memref<16384x128xf32, #tpu.memory_space<hbm>> -> memref<128x128xf32, #tpu.memory_space<hbm>>
    %dma_wait3A_406 = arith.constant 0 : i32
    %dma_wait3A_407 = arith.constant 0 : i32
    %dma_wait3A_408 = tpu.memref_slice %arg8[%dma_wait3A_397, %dma_wait3A_406, %dma_wait3A_407] : memref<4x128x128xf32, #tpu.memory_space<vmem>> -> memref<1x128x128xf32, #tpu.memory_space<vmem>>
    %dma_wait3A_409 = tpu.memref_squeeze %dma_wait3A_408 : memref<1x128x128xf32, #tpu.memory_space<vmem>> -> memref<128x128xf32, #tpu.memory_space<vmem>>
    tpu.wait_dma2 semaphore(%arg13 : memref<!tpu.dma_semaphore, #tpu.memory_space<semaphore_mem>>) src(%dma_wait3A_409 : memref<128x128xf32, #tpu.memory_space<vmem>>) dst(%dma_wait3A_405 : memref<128x128xf32, #tpu.memory_space<hbm>>)
    return
  }
}

</mosaic_0001>

<sc_bundles>
// kernel: kernel.3.cloned.1.call-start
scs
__scs_entry_jumppad:
0x0: {  	(pc) =	sbr.rel $0x88, $3  }
0x1: {  	(tag) =	ssettag $0x0;
	lr =	simm.s32 $0x1  }
0x2: {  	[smem:$0x3F9D] =	sst lr;
	_ =	strace $0xD0000000  }
0x3: {  	_ = 	snop  }
0x4: {  	_ = 	snop  }
0x5: {  	_ = 	snop  }
0x6: {  	_ = 	snop  }
0x7: {  	_ = 	snop  }
__scs_overlays_trampoline_lowered:
0x8: {  	[smem:$0x3FAC] =	sst s0  }
0x9: {  	[smem:$0x3FAD] =	sst s1  }
0xa: {  	[smem:$0x3FAE] =	sst s2  }
0xb: {  	[smem:$0x3FAF] =	sst s3  }
0xc: {  	[smem:$0x3FB0] =	sst s4  }
0xd: {  	[smem:$0x3FB1] =	sst s5  }
0xe: {  	[smem:$0x3FB2] =	sst s6  }
0xf: {  	[smem:$0x3FB3] =	sst s7  }
0x10: {  	[smem:$0x3FB4] =	sst s8  }
0x11: {  	[smem:$0x3FB5] =	sst s9;
	s0 =	simm.s32 @!p0 $0x0  }
0x12: {  	s1 =	sld [smem:$0x3F9B];
	s0 =	simm.s32 @p0 $0x1  }
0x13: {  	[smem:$0x3FB6] =	sst s0;
	s0 =	simm.s32 @!p1 $0x0  }
0x14: {  	s2 =	sld [smem:$0x3F9A];
	s0 =	simm.s32 @p1 $0x1  }
0x15: {  	[smem:$0x3FB7] =	sst s0;
	s0 =	simm.s32 @!p2 $0x0  }
0x16: {  	s3 =	sld [smem:$0x3FDB];
	s0 =	simm.s32 @p2 $0x1  }
0x17: {  	s4 =	simm.s32 $0x1BF5;
	[smem:$0x3FB9] =	sst s0  }
0x18: {  	s0 =	sld [smem:$0x3F9C];
	_ =	swait.ge [sflag:s4], $0x0  }
0x19: {  	s7 =	sld [smem:$0x3F9D]  }
0x1a: {  	s8 =	sadd.s32 $0xFFFFE003, lr  }
0x1b: {  	s9 =	sadd.s32 $0xFFFFFEF7, lr;
	s5 =	simm.s32 $0xFFFFFFFF;
	p2 =	slt.u32 s8, $0xFFFFF086  }
0x1c: {  	p1 =	slt.u32 s9, $0xF7A;
	s5 =	simm.s32 @!p2 $0x0  }
0x1d: {  	s5 =	simm.s32 @p1 $0x1;
	p0 =	seq.s32 s7, s2  }
0x1e: {  	s7 =	smul.u32 @!p0 $0xF7A, s2;
	p2 =	seq.s32 @!p0 s5, $0x0  }
0x1f: {  	s9 =	smul.u32 $0xF7A, s1;
	s8 =	simm.s32 @!p0 $0x1BF5;
	p2 =	por !p2, p0  }
0x20: {  	[sflag:s8] =	ssyncset.s32 @!p0 $0xFFFFF086;
	s6 =	sadd.s32 @!p0 s3, s7;
	s7 =	simm.s32 @!p0 $0x108  }
0x21: {  	s3 =	sadd.s32 s3, s9;
	s6 =	sadd.s32 @!p0 $0x88, s6;
	s7 =	simm.s32 @p2 $0x1082  }
0x22: {  	[simem:s7], [sflag:s8] =	dma.local @!p0 [hbm:s6], $0xF7A  }
0x23: {  	s9 =	sor.u32 $0xD0000000, s2;
	s6 =	simm.s32 $0x108;
	_ =	swait.ge @!p0 [sflag:s8], $0x0  }
0x24: {  	s3 =	sadd.s32 $0x88, s3;
	s6 =	simm.s32 @!p1 $0x1082;
	[sflag:s4] =	ssyncset.s32 $0xFFFFF086  }
0x25: {  	[simem:s6], [sflag:s4] =	dma.local [hbm:s3], $0xF7A  }
0x26: {  	[smem:$0x3F9D] =	sst s1;
	(tag) =	ssettag s2;
	_ =	strace s9  }
0x27: {  	s1 =	sld [smem:$0x3FAD]  }
0x28: {  	s2 =	sld [smem:$0x3FAE]  }
0x29: {  	s4 =	sld [smem:$0x3FB0]  }
0x2a: {  	p0 =	seq.s32 s5, $0x0;
	s5 =	sld [smem:$0x3FB1]  }
0x2b: {  	s6 =	sld [smem:$0x3FB2]  }
0x2c: {  	s7 =	sld [smem:$0x3FB3]  }
0x2d: {  	s3 =	simm.s32 $0x108;
	s8 =	sld [smem:$0x3FB4]  }
0x2e: {  	s3 =	simm.s32 @!p0 $0x1082;
	s9 =	sld [smem:$0x3FB5]  }
0x2f: {  	lr =	sadd.s32 s0, s3;
	s0 =	sld [smem:$0x3FAC]  }
0x30: {  	s3 =	sld [smem:$0x3FAF]  }
0x31: {  	[smem:$0x3FB8] =	sst s10  }
0x32: {  	s10 =	sld [smem:$0x3FB6];
	_ =	sdelay $0x3  }
0x33: {  	p0 =	seq.s32 s10, $0x1;
	s10 =	sld [smem:$0x3FB8];
	_ =	sdelay $0x3  }
0x34: {  	[smem:$0x3FB8] =	sst s10  }
0x35: {  	s10 =	sld [smem:$0x3FB7];
	_ =	sdelay $0x3  }
0x36: {  	p1 =	seq.s32 s10, $0x1;
	s10 =	sld [smem:$0x3FB8];
	_ =	sdelay $0x3  }
0x37: {  	[smem:$0x3FB8] =	sst s10  }
0x38: {  	s10 =	sld [smem:$0x3FB9]  }
0x39: {  	_ = 	snop;
	(pc) =	sbr.ind lr, $3  }
0x3a: {  	_ = 	snop  }
0x3b: {  	_ = 	snop  }
0x3c: {  	p2 =	seq.s32 s10, $0x1;
	s10 =	sld [smem:$0x3FB8]  }
0x3d: {  	_ =	shalt  }
0x3e: {  	_ =	shalt  }
0x3f: {  	_ =	shalt  }
0x40: {  	_ =	shalt  }
0x41: {  	_ =	shalt  }
0x42: {  	_ =	shalt  }
0x43: {  	_ =	shalt  }
0x44: {  	_ =	shalt  }
0x45: {  	_ =	shalt  }
0x46: {  	_ =	shalt  }
0x47: {  	_ =	shalt  }
0x48: {  	_ =	shalt  }
0x49: {  	_ =	shalt  }
0x4a: {  	_ =	shalt  }
0x4b: {  	_ =	shalt  }
0x4c: {  	_ =	shalt  }
0x4d: {  	_ =	shalt  }
0x4e: {  	_ =	shalt  }
0x4f: {  	_ =	shalt  }
0x50: {  	_ =	shalt  }
0x51: {  	_ =	shalt  }
0x52: {  	_ =	shalt  }
0x53: {  	_ =	shalt  }
0x54: {  	_ =	shalt  }
0x55: {  	_ =	shalt  }
0x56: {  	_ =	shalt  }
0x57: {  	_ =	shalt  }
0x58: {  	_ =	shalt  }
0x59: {  	_ =	shalt  }
0x5a: {  	_ =	shalt  }
0x5b: {  	_ =	shalt  }
0x5c: {  	_ =	shalt  }
0x5d: {  	_ =	shalt  }
0x5e: {  	_ =	shalt  }
0x5f: {  	_ =	shalt  }
0x60: {  	_ =	shalt  }
0x61: {  	_ =	shalt  }
0x62: {  	_ =	shalt  }
0x63: {  	_ =	shalt  }
0x64: {  	_ =	shalt  }
0x65: {  	_ =	shalt  }
0x66: {  	_ =	shalt  }
0x67: {  	_ =	shalt  }
0x68: {  	_ =	shalt  }
0x69: {  	_ =	shalt  }
0x6a: {  	_ =	shalt  }
0x6b: {  	_ =	shalt  }
0x6c: {  	_ =	shalt  }
0x6d: {  	_ =	shalt  }
0x6e: {  	_ =	shalt  }
0x6f: {  	_ =	shalt  }
0x70: {  	_ =	shalt  }
0x71: {  	_ =	shalt  }
0x72: {  	_ =	shalt  }
0x73: {  	_ =	shalt  }
0x74: {  	_ =	shalt  }
0x75: {  	_ =	shalt  }
0x76: {  	_ =	shalt  }
0x77: {  	_ =	shalt  }
0x78: {  	_ =	shalt  }
0x79: {  	_ =	shalt  }
0x7a: {  	_ =	shalt  }
0x7b: {  	_ =	shalt  }
0x7c: {  	_ =	shalt  }
0x7d: {  	_ =	shalt  }
0x7e: {  	_ =	shalt  }
0x7f: {  	_ =	shalt  }
0x80: {  	_ =	shalt  }
0x81: {  	_ =	shalt  }
0x82: {  	_ =	shalt  }
0x83: {  	_ =	shalt  }
0x84: {  	_ =	shalt  }
0x85: {  	_ =	shalt  }
0x86: {  	_ =	shalt  }
0x87: {  	_ =	shalt  }
.Lfunc_end0:
.L_simem_size_0:
called_computation_lowered:
.L_overlay_start_0:
0x88: {  	s2 =	sld [smem:$0x3FD9]  }
0x89: {  	s3 =	sld [smem:$0x3FFE];
	_ =	sdelay $0x1  }
0x8a: {  	s1 =	srdreg.scid  }
0x8b: {  	s0 =	sand.u32 $0x1, s1  }
0x8c: {  	s18 =	sshll.u32 s0, $0xA;
	s2 =	sadd.s32 s3, s2  }
0x8d: {  	s2 =	sadd.s32 s2, s18  }
0x8e: {  	[smem:$0x3FC4] =	sst s2  }
0x8f: {  	_ = 	snop  }
0x90: {  	s2 =	sld [smem:$0x3FC9]  }
0x91: {  	s19 =	sld [smem:$0x3FC8]  }
0x92: {  	s4 =	sld [smem:$0x3FC7]  }
0x93: {  	s5 =	sld [smem:$0x3FC6]  }
0x94: {  	s6 =	sld [smem:$0x3FD0];
	(tm) =	ssettm $0x1  }
0x95: {  	s7 =	sld [smem:$0x3FFB];
	_ =	sdelay $0x3  }
0x96: {  	_ =	strace s7  }
0x97: {  	s7 =	sld [smem:$0x3FFC];
	_ =	sdelay $0x3  }
0x98: {  	_ =	strace s7  }
0x99: {  	s7 =	sld [smem:$0x3FFD];
	_ =	sdelay $0x3  }
0x9a: {  	_ =	strace s7  }
0x9b: {  	_ =	strace $0x8FFFFFFF  }
0x9c: {  	s20 =	sld [smem:$0x3FDB];
	_ =	sdelay $0x1  }
0x9d: {  	s8 =	simm.s32 $_scs_section_size  }
0x9e: {  	s9 =	simm.s32 $_size__tile_overlayer_lowered;
	s10 =	simm.s32 $_tile_overlayer_lowered  }
0x9f: {  	s23 =	simm.s32 $0x1BFF;
	s22 =	sshll.u32 s10, $0x1;
	s7 =	sadd.s32 s8, s20  }
0xa0: {  	s11 =	simm.s32 $0x0;
	s21 =	sshll.u32 s9, $0x1;
	s9 =	sadd.s32 s22, s7  }
0xa1: {  	[timem:s11], [sflag:s23] =	dma.local [hbm:s9], s21  }
0xa2: {  	_ =	swait.ge [sflag:s23], s21  }
0xa3: {  	s8 =	ssub.s32 $0x0, s21;
	[sflag:s23] =	ssyncset.done $0x0  }
0xa4: {  	[sflag:s23] =	ssyncadd.s32 s8;
	_ =	sdelay $0x1  }
0xa5: {  	s24 =	simm.s32 $0x1B8B  }
0xa6: {  	_ =	swait.ge [sflag:s24], $0x1  }
0xa7: {  	[sflag:s24] =	ssyncset.done $0x0  }
0xa8: {  	s25 =	simm.s32 $0x1B8E;
	[sflag:s24] =	ssyncadd.s32 $0xFFFFFFFF  }
0xa9: {  	s26 =	simm.s32 $execute0_lowered;
	[smem:$0x3FD2] =	sst s25  }
0xaa: {  	s8 =	sshll.u32 s26, $0x1;
	_ =	strace $0x80000046;
	[dreg:$0x1] =	wrdreg $0xFFFFFFFF  }
0xab: {  	s28 =	simm.s32 $_size_execute0_lowered;
	s7 =	sadd.s32 s7, s8;
	[dreg:$0x0] =	wrdreg $0x0  }
0xac: {  	s8 =	sshll.u32 s28, $0x1;
	[dreg:$0x2] =	wrdreg s7  }
0xad: {  	[dreg:$0x3] =	wrdreg s8  }
0xae: {  	[dreg:$0x4] =	wrdreg $0xC0  }
0xaf: {  	_ =	task [dreg:s11], $0x5FFFF  }
0xb0: {  	[dreg:$0x1] =	wrdreg $0xFFFFFFFF  }
0xb1: {  	[dreg:$0x0] =	wrdreg $0x60  }
0xb2: {  	[dreg:$0x2] =	wrdreg s2  }
0xb3: {  	[dreg:$0x3] =	wrdreg s19  }
0xb4: {  	[dreg:$0x4] =	wrdreg s4  }
0xb5: {  	[dreg:$0x5] =	wrdreg s5  }
0xb6: {  	[dreg:$0x6] =	wrdreg s6  }
0xb7: {  	[dreg:$0x7] =	wrdreg $0x9  }
0xb8: {  	_ =	task.clear_ibuf [dreg:s11], $0x8FFFF;
	_ =	strace $0x90000046  }
0xb9: {  	s29 =	simm.s32 $0x9;
	_ =	strace $0x80000048  }
0xba: {  	_ =	swait.ge [sflag:s29], $0x1  }
0xbb: {  	[sflag:s29] =	ssyncadd.s32 $0xFFFFFFFF  }
0xbc: {  	_ =	strace $0x90000048  }
0xbd: {  	_ =	sfence  }
0xbe: {  	s30 =	sld [smem:$0x0];
	_ =	sdelay $0x2  }
0xbf: {  	s31 =	sshll.u32 s1, $0xD;
	s1 =	sshrl.u32 s1, $0x2  }
0xc0: {  	s3 =	sand.u32 $0x4000, s31;
	s1 =	sadd.s32 s1, s30  }
0xc1: {  	s0 =	sor.u32 s3, s0;
	s1 =	sshll.u32 s1, $0x11  }
0xc2: {  	s0 =	sor.u32 s1, s0  }
0xc3: {  	s0 =	sadd.s32 $0x8F2B, s0  }
0xc4: {  	[sflag:s0] =	ssyncadd.remote.s32 $0x1  }
0xc5: {  	_ =	sfence.sel $0xFFFF  }
0xc6: {  	[dreg:$0x0] =	wrdreg $0xFFFFFFFF;
	(pc) =	sbr.abs _section_cstart, $3  }
0xc7: {  	[dreg:$0x1] =	wrdreg $0xFFFFFFFF  }
0xc8: {  	_ =	task.clear_ibuf [dreg:s11], $0x2FFFF;
	_ =	strace $0x9FFFFFFF  }
0xc9: {  	(tm) =	ssettm $0x7FFFFFFF  }
tec
execute0_lowered:
.L_overlay_start_1:
0x0: {  	(tag) =	ssettag $0x1  }
0x1: {  	s0 =	rddreg [dreg:$0x0]  }
0x2: {  	s3 =	rddreg [dreg:$0x1]  }
0x3: {  	s1 =	rddreg [dreg:$0x2]  }
0x4: {  	s2 =	rddreg [dreg:$0x3]  }
0x5: {  	s14 =	rddreg [dreg:$0x4];
	s5 =	srdreg.scid;
	s4 =	simm.s32 $0x0  }
0x6: {  	s7 =	stileid.u32;
	s17 =	simm.s32 $0x80;
	s18 =	simm.s32 $0x200  }
0x7: {  	s19 =	simm.s32 $0x10200;
	s20 =	simm.s32 $0x4200;
	s21 =	simm.s32 $0x100  }
0x8: {  	s22 =	simm.s32 $0x8200;
	s23 =	simm.s32 $0x180;
	s28 =	simm.s32 $0x3  }
0x9: {  	s30 =	simm.s32 $0x2;
	s31 =	simm.s32 $0x4;
	s5 =	sand.u32 $0x1, s5  }
0xa: {  	s7 =	sshll.u32 s7, $0xA;
	s6 =	ssub.s32 $0x2, s5;
	s5 =	sshll.u32 s5, $0x9  }
0xb: {  	[smem:$0x7FF] =	sst s4;
	s8 =	sshrl.u32 s6, $0x1;
	s5 =	sor.u32 s5, s7  }
0xc: {  	_ =	strace $0x80000047;
	s15 =	ssub.s32 s6, s8;
	s24 =	sor.u32 $0x80, s5  }
0xd: {  	s25 =	sshrl.u32 s5, $0x3;
	s11 =	sshll.u32 s5, $0x4;
	s26 =	sshrl.u32 s24, $0x3  }
0xe: {  	s5 =	sadd.s32 s3, s25;
	s6 =	sadd.s32 s0, s11;
	s29 =	sshll.u32 s24, $0x4  }
0xf: {  	s13 =	sor.u32 $0x1000, s11;
	s16 =	sor.u32 $0x1800, s11;
	s11 =	sadd.s32 s14, s11  }
0x10: {  	s15 =	smax.u32 s15, $0x1;
	s24 =	simm.s32 $0xC200;
	s7 =	sadd.s32 s3, s26  }
0x11: {  	s8 =	sadd.s32 s0, s29;
	s9 =	sadd.s32 s0, s13;
	s10 =	sadd.s32 s0, s16  }
0x12: {  	s12 =	sadd.s32 s14, s29;
	s13 =	sadd.s32 s14, s13;
	s14 =	sadd.s32 s14, s16  }
0x13: {  	s16 =	simm.s32 $0x5;
	s26 =	simm.s32 $0x1;
	s0 =	simm.s32 $0x0  }
.LBB2_1:
0x14: {  	[tilespmem:s4], [sflag:$0x5] =	stream.linear.gather [hbm4b:s5+s4], $0x80, $0x38;
	[tilespmem:$0x1C200] =	vst v63  }
0x15: {  	_ =	swait.ge [sflag:s16], $0x80  }
0x16: {  	[sflag:s16] =	ssyncset.done $0x0  }
0x17: {  	[sflag:s16] =	ssyncadd.s32 $0xFFFFFF80  }
0x18: {  	[tilespmem:s18], [sflag:$0x1] =	stream.indirect.gather [hbm4b:s1+s17], $0x80, s4, s17, $0xb8;
	[tilespmem:$0x1C200] =	vst v63  }
0x19: {  	_ = 	snop  }
0x1a: {  	[tilespmem:s19], [sflag:$0x3] =	stream.linear.gather [hbm4b:s6+s4], $0x4000, $0x38;
	[tilespmem:$0x1C200] =	vst v63  }
0x1b: {  	_ = 	snop  }
0x1c: {  	[tilespmem:s17], [sflag:$0x5] =	stream.linear.gather [hbm4b:s7+s4], $0x180, $0x38;
	[tilespmem:$0x1C200] =	vst v63  }
0x1d: {  	_ =	swait.ge [sflag:s16], $0x180  }
0x1e: {  	[sflag:s16] =	ssyncset.done $0x0  }
0x1f: {  	[sflag:s16] =	ssyncadd.s32 $0xFFFFFE80  }
0x20: {  	[tilespmem:s20], [sflag:$0x1] =	stream.indirect.gather [hbm4b:s1+s17], $0x80, s17, s17, $0xb8;
	[tilespmem:$0x1C200] =	vst v63  }
0x21: {  	_ = 	snop  }
0x22: {  	[tilespmem:s22], [sflag:$0x1] =	stream.indirect.gather [hbm4b:s1+s17], $0x80, s21, s17, $0xb8;
	[tilespmem:$0x1C200] =	vst v63  }
0x23: {  	_ = 	snop  }
0x24: {  	[tilespmem:s24], [sflag:$0x1] =	stream.indirect.gather [hbm4b:s1+s17], $0x80, s23, s17, $0xb8;
	[tilespmem:$0x1C200] =	vst v63  }
0x25: {  	s3 =	simm.s32 $0x14200  }
0x26: {  	[tilespmem:s3], [sflag:$0x3] =	stream.linear.gather [hbm4b:s8+s4], $0x4000, $0x38;
	[tilespmem:$0x1C200] =	vst v63  }
0x27: {  	_ =	swait.ge [sflag:s26], $0x4000  }
0x28: {  	[sflag:s26] =	ssyncset.done $0x0  }
0x29: {  	[sflag:s26] =	ssyncadd.s32 $0xFFFFC000  }
0x2a: {  	_ =	swait.ge [sflag:s28], $0x4000  }
0x2b: {  	[sflag:s28] =	ssyncset.done $0x0  }
0x2c: {  	s29 =	simm.s32 $0x18200;
	s3 =	simm.s32 $0x0;
	[sflag:s28] =	ssyncadd.s32 $0xFFFFC000  }
0x2d: {  	[tilespmem:s29], [sflag:$0x3] =	stream.linear.gather [hbm4b:s9+s4], $0x4000, $0x38;
	[tilespmem:$0x1C200] =	vst v63  }
0x2e: {  	v7 =	vld [tilespmem:s3+$0x10200]  }
0x2f: {  	v11 =	vld [tilespmem:s3+$0x10210]  }
0x30: {  	v5 =	vld [tilespmem:s3+$0x10220]  }
0x31: {  	v4 =	vld [tilespmem:s3+$0x10230]  }
0x32: {  	v3 =	vld [tilespmem:s3+$0x10240]  }
0x33: {  	v2 =	vld [tilespmem:s3+$0x10250]  }
0x34: {  	v1 =	vld [tilespmem:s3+$0x10260]  }
0x35: {  	v0 =	vld [tilespmem:s3+$0x10270]  }
0x36: {  	v12 =	vld [tilespmem:s3+$0x200]  }
0x37: {  	v13 =	vld [tilespmem:s3+$0x210]  }
0x38: {  	v10 =	vld [tilespmem:s3+$0x220]  }
0x39: {  	v9 =	vld [tilespmem:s3+$0x230]  }
0x3a: {  	v8 =	vld [tilespmem:s3+$0x240]  }
0x3b: {  	v6 =	vld [tilespmem:s3+$0x250];
	v12 =	vmul.f32 v7, v12  }
0x3c: {  	s25 =	simm.s32 $0x200;
	v11 =	vmul.f32 v11, v13;
	v7 =	vld [tilespmem:s3+$0x260]  }
.LBB2_2:
0x3d: {  	s29 =	sshra.s32 s25, $0x2;
	p0 =	sne.s32 s25, $0xFE00;
	[tilespmem:s3+$0x200] =	vst v12;
	v5 =	vmul.f32 v5, v10;
	v10 =	vld [tilespmem:s3+$0x270]  }
0x3e: {  	v12 =	vld [tilespmem:s29+$0x10200];
	[tilespmem:s3+$0x210] =	vst v11;
	v4 =	vmul.f32 v4, v9  }
0x3f: {  	v11 =	vld [tilespmem:s29+$0x10210];
	[tilespmem:s3+$0x220] =	vst v5;
	v3 =	vmul.f32 v3, v8  }
0x40: {  	v5 =	vld [tilespmem:s29+$0x10220];
	[tilespmem:s3+$0x230] =	vst v4;
	v2 =	vmul.f32 v2, v6  }
0x41: {  	v4 =	vld [tilespmem:s29+$0x10230];
	[tilespmem:s3+$0x240] =	vst v3;
	v1 =	vmul.f32 v1, v7  }
0x42: {  	v3 =	vld [tilespmem:s29+$0x10240];
	[tilespmem:s3+$0x250] =	vst v2;
	v0 =	vmul.f32 v0, v10  }
0x43: {  	v2 =	vld [tilespmem:s29+$0x10250];
	[tilespmem:s3+$0x260] =	vst v1  }
0x44: {  	v1 =	vld [tilespmem:s29+$0x10260];
	[tilespmem:s3+$0x270] =	vst v0;
	s3 =	smov.u32 s29  }
0x45: {  	v0 =	vld [tilespmem:s3+$0x10270]  }
0x46: {  	v6 =	vld [tilespmem:s3+$0x200]  }
0x47: {  	v7 =	vld [tilespmem:s3+$0x210]  }
.Ltmp0:
0x48: {  	v10 =	vld [tilespmem:s3+$0x220];
	(pc) =	sbr.rel @p0 .LBB2_2-.Ltmp0, $4  }
0x49: {  	v9 =	vld [tilespmem:s3+$0x230]  }
0x4a: {  	v8 =	vld [tilespmem:s3+$0x240]  }
0x4b: {  	v12 =	vmul.f32 v12, v6;
	v6 =	vld [tilespmem:s3+$0x250]  }
0x4c: {  	s25 =	sadd.s32 $0x200, s25;
	v11 =	vmul.f32 v11, v7;
	v7 =	vld [tilespmem:s3+$0x260]  }
0x4d: {  	[tilespmem:s3+$0x200] =	vst v12;
	v5 =	vmul.f32 v5, v10;
	v10 =	vld [tilespmem:s3+$0x270]  }
0x4e: {  	[tilespmem:s3+$0x210] =	vst v11;
	v4 =	vmul.f32 v4, v9  }
0x4f: {  	[tilespmem:s3+$0x220] =	vst v5;
	v3 =	vmul.f32 v3, v8  }
0x50: {  	[tilespmem:s3+$0x230] =	vst v4;
	v2 =	vmul.f32 v2, v6  }
0x51: {  	[tilespmem:s3+$0x240] =	vst v3;
	v1 =	vmul.f32 v1, v7  }
0x52: {  	[tilespmem:s3+$0x250] =	vst v2;
	v0 =	vmul.f32 v0, v10  }
0x53: {  	[tilespmem:s3+$0x260] =	vst v1  }
0x54: {  	s29 =	simm.s32 $0x0;
	[tilespmem:s3+$0x270] =	vst v0  }
0x55: {  	[tilespmem:s18], [sflag:$0x2] =	stream.indirect.gather.add.f32 [hbm:s2], $0x80, s29, s17, $0xb8;
	[tilespmem:$0x1C200] =	vst v63  }
0x56: {  	_ =	swait.ge [sflag:s26], $0x4000  }
0x57: {  	[sflag:s26] =	ssyncset.done $0x0  }
0x58: {  	[sflag:s26] =	ssyncadd.s32 $0xFFFFC000  }
0x59: {  	_ =	swait.ge [sflag:s28], $0x4000  }
0x5a: {  	[sflag:s28] =	ssyncset.done $0x0  }
0x5b: {  	s3 =	simm.s32 $0x0;
	[sflag:s28] =	ssyncadd.s32 $0xFFFFC000  }
0x5c: {  	[tilespmem:s19], [sflag:$0x3] =	stream.linear.gather [hbm4b:s10+s29], $0x4000, $0x38;
	[tilespmem:$0x1C200] =	vst v63  }
0x5d: {  	v7 =	vld [tilespmem:s3+$0x14200]  }
0x5e: {  	v11 =	vld [tilespmem:s3+$0x14210]  }
0x5f: {  	v5 =	vld [tilespmem:s3+$0x14220]  }
0x60: {  	v4 =	vld [tilespmem:s3+$0x14230]  }
0x61: {  	v3 =	vld [tilespmem:s3+$0x14240]  }
0x62: {  	v2 =	vld [tilespmem:s3+$0x14250]  }
0x63: {  	v1 =	vld [tilespmem:s3+$0x14260]  }
0x64: {  	v0 =	vld [tilespmem:s3+$0x14270]  }
0x65: {  	v12 =	vld [tilespmem:s3+$0x4200]  }
0x66: {  	v13 =	vld [tilespmem:s3+$0x4210]  }
0x67: {  	v10 =	vld [tilespmem:s3+$0x4220]  }
0x68: {  	v9 =	vld [tilespmem:s3+$0x4230]  }
0x69: {  	v8 =	vld [tilespmem:s3+$0x4240]  }
0x6a: {  	v6 =	vld [tilespmem:s3+$0x4250];
	v12 =	vmul.f32 v7, v12  }
0x6b: {  	s25 =	simm.s32 $0x200;
	v11 =	vmul.f32 v11, v13;
	v7 =	vld [tilespmem:s3+$0x4260]  }
.LBB2_4:
0x6c: {  	s29 =	sshra.s32 s25, $0x2;
	p0 =	sne.s32 s25, $0xFE00;
	[tilespmem:s3+$0x4200] =	vst v12;
	v5 =	vmul.f32 v5, v10;
	v10 =	vld [tilespmem:s3+$0x4270]  }
0x6d: {  	v12 =	vld [tilespmem:s29+$0x14200];
	[tilespmem:s3+$0x4210] =	vst v11;
	v4 =	vmul.f32 v4, v9  }
0x6e: {  	v11 =	vld [tilespmem:s29+$0x14210];
	[tilespmem:s3+$0x4220] =	vst v5;
	v3 =	vmul.f32 v3, v8  }
0x6f: {  	v5 =	vld [tilespmem:s29+$0x14220];
	[tilespmem:s3+$0x4230] =	vst v4;
	v2 =	vmul.f32 v2, v6  }
0x70: {  	v4 =	vld [tilespmem:s29+$0x14230];
	[tilespmem:s3+$0x4240] =	vst v3;
	v1 =	vmul.f32 v1, v7  }
0x71: {  	v3 =	vld [tilespmem:s29+$0x14240];
	[tilespmem:s3+$0x4250] =	vst v2;
	v0 =	vmul.f32 v0, v10  }
0x72: {  	v2 =	vld [tilespmem:s29+$0x14250];
	[tilespmem:s3+$0x4260] =	vst v1  }
0x73: {  	v1 =	vld [tilespmem:s29+$0x14260];
	[tilespmem:s3+$0x4270] =	vst v0;
	s3 =	smov.u32 s29  }
0x74: {  	v0 =	vld [tilespmem:s3+$0x14270]  }
0x75: {  	v6 =	vld [tilespmem:s3+$0x4200]  }
0x76: {  	v7 =	vld [tilespmem:s3+$0x4210]  }
.Ltmp1:
0x77: {  	v10 =	vld [tilespmem:s3+$0x4220];
	(pc) =	sbr.rel @p0 .LBB2_4-.Ltmp1, $4  }
0x78: {  	v9 =	vld [tilespmem:s3+$0x4230]  }
0x79: {  	v8 =	vld [tilespmem:s3+$0x4240]  }
0x7a: {  	v12 =	vmul.f32 v12, v6;
	v6 =	vld [tilespmem:s3+$0x4250]  }
0x7b: {  	s25 =	sadd.s32 $0x200, s25;
	v11 =	vmul.f32 v11, v7;
	v7 =	vld [tilespmem:s3+$0x4260]  }
0x7c: {  	[tilespmem:s3+$0x4200] =	vst v12;
	v5 =	vmul.f32 v5, v10;
	v10 =	vld [tilespmem:s3+$0x4270]  }
0x7d: {  	[tilespmem:s3+$0x4210] =	vst v11;
	v4 =	vmul.f32 v4, v9  }
0x7e: {  	[tilespmem:s3+$0x4220] =	vst v5;
	v3 =	vmul.f32 v3, v8  }
0x7f: {  	[tilespmem:s3+$0x4230] =	vst v4;
	v2 =	vmul.f32 v2, v6  }
0x80: {  	[tilespmem:s3+$0x4240] =	vst v3;
	v1 =	vmul.f32 v1, v7  }
0x81: {  	[tilespmem:s3+$0x4250] =	vst v2;
	v0 =	vmul.f32 v0, v10  }
0x82: {  	[tilespmem:s3+$0x4260] =	vst v1  }
0x83: {  	[tilespmem:s3+$0x4270] =	vst v0  }
0x84: {  	[tilespmem:s20], [sflag:$0x2] =	stream.indirect.gather.add.f32 [hbm:s2], $0x80, s17, s17, $0xb8;
	[tilespmem:$0x1C200] =	vst v63  }
0x85: {  	_ =	swait.ge [sflag:s30], $0x4000  }
0x86: {  	[sflag:s30] =	ssyncset.done $0x0  }
0x87: {  	s29 =	simm.s32 $0x0;
	[sflag:s30] =	ssyncadd.s32 $0xFFFFC000  }
0x88: {  	[hbm4b:s11+s29] =	stream.linear.scatter [tilespmem:s18], [sflag:$0x4], $0x4000, $0x38;
	[tilespmem:$0x1C200] =	vst v63  }
0x89: {  	_ =	swait.ge [sflag:s26], $0x4000  }
0x8a: {  	[sflag:s26] =	ssyncset.done $0x0  }
0x8b: {  	[sflag:s26] =	ssyncadd.s32 $0xFFFFC000  }
0x8c: {  	_ =	swait.ge [sflag:s28], $0x4000  }
0x8d: {  	[sflag:s28] =	ssyncset.done $0x0  }
0x8e: {  	s3 =	simm.s32 $0x0;
	[sflag:s28] =	ssyncadd.s32 $0xFFFFC000  }
0x8f: {  	v7 =	vld [tilespmem:s3+$0x18200]  }
0x90: {  	v11 =	vld [tilespmem:s3+$0x18210]  }
0x91: {  	v5 =	vld [tilespmem:s3+$0x18220]  }
0x92: {  	v4 =	vld [tilespmem:s3+$0x18230]  }
0x93: {  	v3 =	vld [tilespmem:s3+$0x18240]  }
0x94: {  	v2 =	vld [tilespmem:s3+$0x18250]  }
0x95: {  	v1 =	vld [tilespmem:s3+$0x18260]  }
0x96: {  	v0 =	vld [tilespmem:s3+$0x18270]  }
0x97: {  	v12 =	vld [tilespmem:s3+$0x8200]  }
0x98: {  	v13 =	vld [tilespmem:s3+$0x8210]  }
0x99: {  	v10 =	vld [tilespmem:s3+$0x8220]  }
0x9a: {  	v9 =	vld [tilespmem:s3+$0x8230]  }
0x9b: {  	v8 =	vld [tilespmem:s3+$0x8240]  }
0x9c: {  	v6 =	vld [tilespmem:s3+$0x8250];
	v12 =	vmul.f32 v7, v12  }
0x9d: {  	s25 =	simm.s32 $0x200;
	v11 =	vmul.f32 v11, v13;
	v7 =	vld [tilespmem:s3+$0x8260]  }
.LBB2_6:
0x9e: {  	s29 =	sshra.s32 s25, $0x2;
	p0 =	sne.s32 s25, $0xFE00;
	[tilespmem:s3+$0x8200] =	vst v12;
	v5 =	vmul.f32 v5, v10;
	v10 =	vld [tilespmem:s3+$0x8270]  }
0x9f: {  	v12 =	vld [tilespmem:s29+$0x18200];
	[tilespmem:s3+$0x8210] =	vst v11;
	v4 =	vmul.f32 v4, v9  }
0xa0: {  	v11 =	vld [tilespmem:s29+$0x18210];
	[tilespmem:s3+$0x8220] =	vst v5;
	v3 =	vmul.f32 v3, v8  }
0xa1: {  	v5 =	vld [tilespmem:s29+$0x18220];
	[tilespmem:s3+$0x8230] =	vst v4;
	v2 =	vmul.f32 v2, v6  }
0xa2: {  	v4 =	vld [tilespmem:s29+$0x18230];
	[tilespmem:s3+$0x8240] =	vst v3;
	v1 =	vmul.f32 v1, v7  }
0xa3: {  	v3 =	vld [tilespmem:s29+$0x18240];
	[tilespmem:s3+$0x8250] =	vst v2;
	v0 =	vmul.f32 v0, v10  }
0xa4: {  	v2 =	vld [tilespmem:s29+$0x18250];
	[tilespmem:s3+$0x8260] =	vst v1  }
0xa5: {  	v1 =	vld [tilespmem:s29+$0x18260];
	[tilespmem:s3+$0x8270] =	vst v0;
	s3 =	smov.u32 s29  }
0xa6: {  	v0 =	vld [tilespmem:s3+$0x18270]  }
0xa7: {  	v6 =	vld [tilespmem:s3+$0x8200]  }
0xa8: {  	v7 =	vld [tilespmem:s3+$0x8210]  }
.Ltmp2:
0xa9: {  	v10 =	vld [tilespmem:s3+$0x8220];
	(pc) =	sbr.rel @p0 .LBB2_6-.Ltmp2, $4  }
0xaa: {  	v9 =	vld [tilespmem:s3+$0x8230]  }
0xab: {  	v8 =	vld [tilespmem:s3+$0x8240]  }
0xac: {  	v12 =	vmul.f32 v12, v6;
	v6 =	vld [tilespmem:s3+$0x8250]  }
0xad: {  	s25 =	sadd.s32 $0x200, s25;
	v11 =	vmul.f32 v11, v7;
	v7 =	vld [tilespmem:s3+$0x8260]  }
0xae: {  	[tilespmem:s3+$0x8200] =	vst v12;
	v5 =	vmul.f32 v5, v10;
	v10 =	vld [tilespmem:s3+$0x8270]  }
0xaf: {  	[tilespmem:s3+$0x8210] =	vst v11;
	v4 =	vmul.f32 v4, v9  }
0xb0: {  	[tilespmem:s3+$0x8220] =	vst v5;
	v3 =	vmul.f32 v3, v8  }
0xb1: {  	[tilespmem:s3+$0x8230] =	vst v4;
	v2 =	vmul.f32 v2, v6  }
0xb2: {  	[tilespmem:s3+$0x8240] =	vst v3;
	v1 =	vmul.f32 v1, v7  }
0xb3: {  	[tilespmem:s3+$0x8250] =	vst v2;
	v0 =	vmul.f32 v0, v10  }
0xb4: {  	[tilespmem:s3+$0x8260] =	vst v1  }
0xb5: {  	[tilespmem:s3+$0x8270] =	vst v0  }
0xb6: {  	[tilespmem:s22], [sflag:$0x2] =	stream.indirect.gather.add.f32 [hbm:s2], $0x80, s21, s17, $0xb8;
	[tilespmem:$0x1C200] =	vst v63  }
0xb7: {  	_ =	swait.ge [sflag:s30], $0x4000  }
0xb8: {  	[sflag:s30] =	ssyncset.done $0x0  }
0xb9: {  	s29 =	simm.s32 $0x0;
	[sflag:s30] =	ssyncadd.s32 $0xFFFFC000  }
0xba: {  	[hbm4b:s12+s29] =	stream.linear.scatter [tilespmem:s20], [sflag:$0x4], $0x4000, $0x38;
	[tilespmem:$0x1C200] =	vst v63  }
0xbb: {  	_ =	swait.ge [sflag:s26], $0x4000  }
0xbc: {  	[sflag:s26] =	ssyncset.done $0x0  }
0xbd: {  	[sflag:s26] =	ssyncadd.s32 $0xFFFFC000  }
0xbe: {  	_ =	swait.ge [sflag:s28], $0x4000  }
0xbf: {  	[sflag:s28] =	ssyncset.done $0x0  }
0xc0: {  	s3 =	simm.s32 $0x0;
	[sflag:s28] =	ssyncadd.s32 $0xFFFFC000  }
0xc1: {  	v7 =	vld [tilespmem:s3+$0x10200]  }
0xc2: {  	v11 =	vld [tilespmem:s3+$0x10210]  }
0xc3: {  	v5 =	vld [tilespmem:s3+$0x10220]  }
0xc4: {  	v4 =	vld [tilespmem:s3+$0x10230]  }
0xc5: {  	v3 =	vld [tilespmem:s3+$0x10240]  }
0xc6: {  	v2 =	vld [tilespmem:s3+$0x10250]  }
0xc7: {  	v1 =	vld [tilespmem:s3+$0x10260]  }
0xc8: {  	v0 =	vld [tilespmem:s3+$0x10270]  }
0xc9: {  	v12 =	vld [tilespmem:s3+$0xC200]  }
0xca: {  	v13 =	vld [tilespmem:s3+$0xC210]  }
0xcb: {  	v10 =	vld [tilespmem:s3+$0xC220]  }
0xcc: {  	v9 =	vld [tilespmem:s3+$0xC230]  }
0xcd: {  	v8 =	vld [tilespmem:s3+$0xC240]  }
0xce: {  	v6 =	vld [tilespmem:s3+$0xC250];
	v12 =	vmul.f32 v7, v12  }
0xcf: {  	s25 =	simm.s32 $0x200;
	v11 =	vmul.f32 v11, v13;
	v7 =	vld [tilespmem:s3+$0xC260]  }
.LBB2_8:
0xd0: {  	s29 =	sshra.s32 s25, $0x2;
	p0 =	sne.s32 s25, $0xFE00;
	[tilespmem:s3+$0xC200] =	vst v12;
	v5 =	vmul.f32 v5, v10;
	v10 =	vld [tilespmem:s3+$0xC270]  }
0xd1: {  	v12 =	vld [tilespmem:s29+$0x10200];
	[tilespmem:s3+$0xC210] =	vst v11;
	v4 =	vmul.f32 v4, v9  }
0xd2: {  	v11 =	vld [tilespmem:s29+$0x10210];
	[tilespmem:s3+$0xC220] =	vst v5;
	v3 =	vmul.f32 v3, v8  }
0xd3: {  	v5 =	vld [tilespmem:s29+$0x10220];
	[tilespmem:s3+$0xC230] =	vst v4;
	v2 =	vmul.f32 v2, v6  }
0xd4: {  	v4 =	vld [tilespmem:s29+$0x10230];
	[tilespmem:s3+$0xC240] =	vst v3;
	v1 =	vmul.f32 v1, v7  }
0xd5: {  	v3 =	vld [tilespmem:s29+$0x10240];
	[tilespmem:s3+$0xC250] =	vst v2;
	v0 =	vmul.f32 v0, v10  }
0xd6: {  	v2 =	vld [tilespmem:s29+$0x10250];
	[tilespmem:s3+$0xC260] =	vst v1  }
0xd7: {  	v1 =	vld [tilespmem:s29+$0x10260];
	[tilespmem:s3+$0xC270] =	vst v0;
	s3 =	smov.u32 s29  }
0xd8: {  	v0 =	vld [tilespmem:s3+$0x10270]  }
0xd9: {  	v6 =	vld [tilespmem:s3+$0xC200]  }
0xda: {  	v7 =	vld [tilespmem:s3+$0xC210]  }
.Ltmp3:
0xdb: {  	v10 =	vld [tilespmem:s3+$0xC220];
	(pc) =	sbr.rel @p0 .LBB2_8-.Ltmp3, $4  }
0xdc: {  	v9 =	vld [tilespmem:s3+$0xC230]  }
0xdd: {  	v8 =	vld [tilespmem:s3+$0xC240]  }
0xde: {  	v12 =	vmul.f32 v12, v6;
	v6 =	vld [tilespmem:s3+$0xC250]  }
0xdf: {  	s25 =	sadd.s32 $0x200, s25;
	v11 =	vmul.f32 v11, v7;
	v7 =	vld [tilespmem:s3+$0xC260]  }
0xe0: {  	[tilespmem:s3+$0xC200] =	vst v12;
	v5 =	vmul.f32 v5, v10;
	v63 =	vld [tilespmem:s3+$0xC270]  }
0xe1: {  	[tilespmem:s3+$0xC210] =	vst v11;
	v4 =	vmul.f32 v4, v9  }
0xe2: {  	[tilespmem:s3+$0xC220] =	vst v5;
	v3 =	vmul.f32 v3, v8  }
0xe3: {  	[tilespmem:s3+$0xC230] =	vst v4;
	v2 =	vmul.f32 v2, v6  }
0xe4: {  	[tilespmem:s3+$0xC240] =	vst v3;
	v1 =	vmul.f32 v1, v7  }
0xe5: {  	[tilespmem:s3+$0xC250] =	vst v2;
	v0 =	vmul.f32 v0, v63  }
0xe6: {  	[tilespmem:s3+$0xC260] =	vst v1  }
0xe7: {  	[tilespmem:s3+$0xC270] =	vst v0  }
0xe8: {  	[tilespmem:s24], [sflag:$0x2] =	stream.indirect.gather.add.f32 [hbm:s2], $0x80, s23, s17, $0xb8;
	[tilespmem:$0x1C200] =	vst v63  }
0xe9: {  	_ =	swait.ge [sflag:s30], $0x4000  }
0xea: {  	[sflag:s30] =	ssyncset.done $0x0  }
0xeb: {  	[sflag:s30] =	ssyncadd.s32 $0xFFFFC000  }
0xec: {  	[hbm4b:s13+s4] =	stream.linear.scatter [tilespmem:s22], [sflag:$0x4], $0x4000, $0x38;
	[tilespmem:$0x1C200] =	vst v63  }
0xed: {  	_ =	swait.ge [sflag:s30], $0x4000  }
0xee: {  	[sflag:s30] =	ssyncset.done $0x0  }
0xef: {  	[sflag:s30] =	ssyncadd.s32 $0xFFFFC000  }
0xf0: {  	[hbm4b:s14+s4] =	stream.linear.scatter [tilespmem:s24], [sflag:$0x4], $0x4000, $0x38;
	[tilespmem:$0x1C200] =	vst v63  }
0xf1: {  	_ =	swait.ge [sflag:s31], $0x4000  }
0xf2: {  	[sflag:s31] =	ssyncset.done $0x0  }
0xf3: {  	[sflag:s31] =	ssyncadd.s32 $0xFFFFC000  }
0xf4: {  	_ =	swait.ge [sflag:s31], $0x4000  }
0xf5: {  	[sflag:s31] =	ssyncset.done $0x0  }
0xf6: {  	s0 =	sadd.s32 $0x1, s0;
	[sflag:s31] =	ssyncadd.s32 $0xFFFFC000  }
0xf7: {  	p0 =	sne.s32 s0, s15;
	_ =	swait.ge [sflag:s31], $0x4000  }
.Ltmp4:
0xf8: {  	[sflag:s31] =	ssyncset.done $0x0;
	(pc) =	sbr.rel @p0 .LBB2_1-.Ltmp4, $4  }
0xf9: {  	[sflag:s31] =	ssyncadd.s32 $0xFFFFC000  }
0xfa: {  	_ =	swait.ge [sflag:s31], $0x4000  }
0xfb: {  	[sflag:s31] =	ssyncset.done $0x0  }
0xfc: {  	[sflag:s31] =	ssyncadd.s32 $0xFFFFC000  }
0xfd: {  	_ =	sfence.sel $0x180000  }
0xfe: {  	[bflag:$0x0] =	sbarrier.arrive $0xFFFF  }
0xff: {  	_ =	strace $0x90000047  }
0x100: {  	s0 =	stileid.u32;
	[bflag:$0x2] =	sbarrier.arrive $0xFFFF  }
0x101: {  	p0 =	sne.s32 s0, $0x0;
	s0 =	rddreg [dreg:$0x5]  }
0x102: {  	s0 =	sadd.s32 @!p0 $0x100000, s0  }
0x103: {  	[sflag:s0] =	ssyncadd.tile.s32 @!p0 $0x1;
	_ =	shalt  }
.Lfunc_end2:
_tile_overlayer_lowered:
.L_overlay_start_2:
0x104: {  	(tag) =	ssettag $0x2  }
0x105: {  	s0 =	rddreg [dreg:$0x0];
	s2 =	stileid.u32  }
0x106: {  	s1 =	rddreg [dreg:$0x1];
	p0 =	sne.s32 s2, $0x0  }
0x107: {  	s3 =	rddreg [dreg:$0x2];
	[bflag:$0x3] =	sbarrier.arrive $0xFFFF;
	s2 =	simm.s32 @!p0 $0x1C05  }
0x108: {  	[timem:s3], [sflag:s2] =	dma.local @!p0 [hbm:s0], s1  }
0x109: {  	s0 =	simm.s32 @!p0 $0x5  }
0x10a: {  	_ =	swait.ge @!p0 [sflag:s0], s1  }
0x10b: {  	s1 =	ssub.s32 @!p0 $0x0, s1;
	[sflag:s0] =	ssyncset.done @!p0 $0x0  }
0x10c: {  	[sflag:s0] =	ssyncadd.s32 @!p0 s1  }
0x10d: {  	[bflag:$0x3] =	sbarrier.arrive $0xFFFF  }
0x10e: {  	_ =	shalt  }

</sc_bundles>
